<compile_context>
chip_gen: v7x
topology: tpu7x:2x2x1
jax: 0.10.2.dev20260603
libtpu: 0.0.44.dev20260713+nightly
codegen_flags: <defaults>
</compile_context>

<pallas_src>
import functools

import jax
import jax.numpy as jnp
from jax import lax
from jax.experimental import pallas as pl
from jax.experimental.pallas import tpu as pltpu
from jax.experimental.pallas import tpu_sc as plsc

N = 10000
E = 320000
F = 128
H = 128
C = 64

NPAD = 10240
NW = 32
CH = 80
EPT = CH * 128
EPAD = NW * EPT
TCH = 160
HCH = TCH // 2
ROWS_PER_TILE = NPAD // 16
BLK = 2048
GRID = NPAD // BLK



def _deg_body(dst_hbm, ones_hbm, zeros_hbm, out_hbm, dst_v, ones_v, deg_sh):
    cid = lax.axis_index("c")
    sid = lax.axis_index("s")
    wid = cid * 16 + sid
    pltpu.sync_copy(dst_hbm.at[wid], dst_v)
    pltpu.sync_copy(ones_hbm, ones_v)
    pltpu.sync_copy(zeros_hbm.at[pl.ds(sid * ROWS_PER_TILE, ROWS_PER_TILE)],
                    deg_sh.at[pl.ds(sid * ROWS_PER_TILE, ROWS_PER_TILE)])
    plsc.subcore_barrier()

    def body(j, carry):
        pltpu.sync_copy(ones_v, deg_sh.at[dst_v.at[j]], add=True)
        return carry

    lax.fori_loop(0, CH, body, 0)
    plsc.subcore_barrier()
    pltpu.sync_copy(deg_sh.at[pl.ds(sid * ROWS_PER_TILE, ROWS_PER_TILE)],
                    out_hbm.at[cid, pl.ds(sid * ROWS_PER_TILE, ROWS_PER_TILE)])


def _degree_partials(dst3d, ones16w, zeros16w):
    mesh = plsc.VectorSubcoreMesh(core_axis_name="c", subcore_axis_name="s")
    k = functools.partial(
        pl.kernel,
        out_type=jax.ShapeDtypeStruct((2, NPAD, 16), jnp.float32),
        mesh=mesh,
        compiler_params=pltpu.CompilerParams(use_tc_tiling_on_sc=False),
        scratch_types=[
            pltpu.VMEM((CH, 128), jnp.int32),
            pltpu.VMEM((128, 16), jnp.float32),
            pltpu.VMEM_SHARED((NPAD, 16), jnp.float32),
        ],
    )(_deg_body)
    return k(dst3d, ones16w, zeros16w)


def _gather_scatter_body(wh, table_hbm, src_hbm, dst_hbm, zeros_hbm,
                         out_hbm, src_v, dst_v, rows_a, rows_b,
                         table_sh, acc_sh, sem_a, sem_b):
    cid = lax.axis_index("c")
    sid = lax.axis_index("s")
    slab = pl.ds(sid * ROWS_PER_TILE, ROWS_PER_TILE)
    pltpu.sync_copy(table_hbm.at[cid, slab], table_sh.at[slab])
    pltpu.sync_copy(zeros_hbm.at[slab], acc_sh.at[slab])
    plsc.subcore_barrier()

    for h in range(2):
        pltpu.sync_copy(src_hbm.at[sid, pl.ds(h * HCH, HCH)], src_v)
        pltpu.sync_copy(dst_hbm.at[sid, pl.ds(h * HCH, HCH)], dst_v)

        pltpu.async_copy(table_sh.at[src_v.at[0]], rows_a, sem_a)

        def body(k, carry):
            j = k * 2
            pltpu.async_copy(table_sh.at[src_v.at[j + 1]], rows_b, sem_b)
            pltpu.make_async_copy(table_sh.at[src_v.at[j]], rows_a,
                                  sem_a).wait()
            pltpu.sync_copy(rows_a, acc_sh.at[dst_v.at[j]], add=True)

            @pl.when(k < HCH // 2 - 1)
            def _():
                pltpu.async_copy(table_sh.at[src_v.at[j + 2]], rows_a, sem_a)

            pltpu.make_async_copy(table_sh.at[src_v.at[j + 1]], rows_b,
                                  sem_b).wait()
            pltpu.sync_copy(rows_b, acc_sh.at[dst_v.at[j + 1]], add=True)
            return carry

        lax.fori_loop(0, HCH // 2, body, 0)

    plsc.subcore_barrier()
    pltpu.sync_copy(acc_sh.at[slab], out_hbm.at[cid, slab])


def _edge_scatter_add(table2, src3d, dst3d, zeros, wh):
    mesh = plsc.VectorSubcoreMesh(core_axis_name="c", subcore_axis_name="s")
    body = functools.partial(_gather_scatter_body, wh)
    k = functools.partial(
        pl.kernel,
        out_type=jax.ShapeDtypeStruct((2, NPAD, wh), jnp.float32),
        mesh=mesh,
        compiler_params=pltpu.CompilerParams(use_tc_tiling_on_sc=False),
        scratch_types=[
            pltpu.VMEM((HCH, 128), jnp.int32),
            pltpu.VMEM((HCH, 128), jnp.int32),
            pltpu.VMEM((128, wh), jnp.float32),
            pltpu.VMEM((128, wh), jnp.float32),
            pltpu.VMEM_SHARED((NPAD, wh), jnp.float32),
            pltpu.VMEM_SHARED((NPAD, wh), jnp.float32),
            pltpu.SemaphoreType.DMA,
            pltpu.SemaphoreType.DMA,
        ],
    )(body)
    return k(table2, src3d, dst3d, zeros)



def _mm_body(x_ref, we_ref, be_ref, wg_ref, g1_ref):
    h0 = jnp.dot(x_ref[:], we_ref[:],
                 preferred_element_type=jnp.float32) + be_ref[:]
    g1_ref[:] = jnp.dot(h0, wg_ref[:], preferred_element_type=jnp.float32)


def _scale_body(g1_ref, degp_ref, t1s_ref, dinv_ref):
    deg = degp_ref[0, :, 0] + degp_ref[1, :, 0] + 1.0
    dinv = lax.rsqrt(deg)
    t1s = g1_ref[:] * dinv[:, None]
    t1s_ref[0] = t1s[:, :H // 2]
    t1s_ref[1] = t1s[:, H // 2:]
    dinv_ref[:] = dinv


def _mid_body(accp_ref, g1_ref, dinv_ref, bg_ref, wf_ref, wts_ref, bts_ref,
              g2_ref, t2s_ref, comb_ref):
    i = pl.program_id(0)
    acc = jnp.concatenate([accp_ref[0], accp_ref[1]], axis=-1)
    dinv = dinv_ref[:]
    conv1 = acc * dinv[:, None] + g1_ref[:] * (dinv * dinv)[:, None] + bg_ref[:]
    h = jnp.maximum(conv1, 0.0)
    g2 = jnp.dot(h, wf_ref[:], preferred_element_type=jnp.float32)
    g2_ref[:] = g2
    t2s = g2 * dinv[:, None]
    t2s_ref[0] = t2s[:, :C // 2]
    t2s_ref[1] = t2s[:, C // 2:]
    att = jax.nn.sigmoid(jnp.dot(h, wts_ref[:],
                                 preferred_element_type=jnp.float32) + bts_ref[:])
    w = att[:, 0] + att[:, 1]
    row = lax.broadcasted_iota(jnp.int32, (BLK, 1), 0) + i * BLK
    wm = jnp.where(row < N, w[:, None], 0.0)
    part = jnp.sum(h * wm, axis=0)

    @pl.when(i == 0)
    def _():
        comb_ref[:] = jnp.zeros_like(comb_ref)

    comb_ref[:] += part[None, :]


def _post_body(accp_ref, g2_ref, dinv_ref, bf_ref, out_ref):
    acc = jnp.concatenate([accp_ref[0], accp_ref[1]], axis=-1)
    dinv = dinv_ref[:]
    out_ref[:] = acc * dinv[:, None] + g2_ref[:] * (dinv * dinv)[:, None] + bf_ref[:]


def _mm_tc(x_pad, W_emb, b_emb, W_gcn):
    return pl.pallas_call(
        _mm_body,
        grid=(GRID,),
        in_specs=[
            pl.BlockSpec((BLK, F), lambda i: (i, 0)),
            pl.BlockSpec((F, H), lambda i: (0, 0)),
            pl.BlockSpec((1, H), lambda i: (0, 0)),
            pl.BlockSpec((H, H), lambda i: (0, 0)),
        ],
        out_specs=pl.BlockSpec((BLK, H), lambda i: (i, 0)),
        out_shape=jax.ShapeDtypeStruct((NPAD, H), jnp.float32),
    )(x_pad, W_emb, b_emb, W_gcn)


def _scale_tc(g1, degp):
    return pl.pallas_call(
        _scale_body,
        grid=(GRID,),
        in_specs=[
            pl.BlockSpec((BLK, H), lambda i: (i, 0)),
            pl.BlockSpec((2, BLK, 16), lambda i: (0, i, 0)),
        ],
        out_specs=[
            pl.BlockSpec((2, BLK, H // 2), lambda i: (0, i, 0)),
            pl.BlockSpec((BLK,), lambda i: (i,)),
        ],
        out_shape=[
            jax.ShapeDtypeStruct((2, NPAD, H // 2), jnp.float32),
            jax.ShapeDtypeStruct((NPAD,), jnp.float32),
        ],
    )(g1, degp)


def _mid_tc(accp, g1, dinv, b_gcn, W_f, W_ts, b_ts):
    return pl.pallas_call(
        _mid_body,
        grid=(GRID,),
        in_specs=[
            pl.BlockSpec((2, BLK, H // 2), lambda i: (0, i, 0)),
            pl.BlockSpec((BLK, H), lambda i: (i, 0)),
            pl.BlockSpec((BLK,), lambda i: (i,)),
            pl.BlockSpec((1, H), lambda i: (0, 0)),
            pl.BlockSpec((H, C), lambda i: (0, 0)),
            pl.BlockSpec((H, 2), lambda i: (0, 0)),
            pl.BlockSpec((1, 2), lambda i: (0, 0)),
        ],
        out_specs=[
            pl.BlockSpec((BLK, C), lambda i: (i, 0)),
            pl.BlockSpec((2, BLK, C // 2), lambda i: (0, i, 0)),
            pl.BlockSpec((1, H), lambda i: (0, 0)),
        ],
        out_shape=[
            jax.ShapeDtypeStruct((NPAD, C), jnp.float32),
            jax.ShapeDtypeStruct((2, NPAD, C // 2), jnp.float32),
            jax.ShapeDtypeStruct((1, H), jnp.float32),
        ],
    )(accp, g1, dinv, b_gcn, W_f, W_ts, b_ts)


def _post_tc(accp, g2, dinv, b_f):
    return pl.pallas_call(
        _post_body,
        grid=(GRID,),
        in_specs=[
            pl.BlockSpec((2, BLK, C // 2), lambda i: (0, i, 0)),
            pl.BlockSpec((BLK, C), lambda i: (i, 0)),
            pl.BlockSpec((BLK,), lambda i: (i,)),
            pl.BlockSpec((1, C), lambda i: (0, 0)),
        ],
        out_specs=pl.BlockSpec((BLK, C), lambda i: (i, 0)),
        out_shape=jax.ShapeDtypeStruct((NPAD, C), jnp.float32),
    )(accp, g2, dinv, b_f)



def kernel(x, edge_index, W_emb, b_emb, W_gcn, b_gcn, W_t, b_t, W_s, b_s,
           W_f, b_f):
    src = edge_index[0].astype(jnp.int32)
    dst = edge_index[1].astype(jnp.int32)
    pad = EPAD - E
    src_p = jnp.concatenate([src, jnp.zeros((pad,), jnp.int32)])
    dst_p = jnp.concatenate([dst, jnp.full((pad,), N, jnp.int32)])
    src3d = src_p.reshape(16, TCH, 128)
    dst3d = dst_p.reshape(16, TCH, 128)
    dst3d_deg = dst_p.reshape(NW, CH, 128)

    x_pad = jnp.pad(x, ((0, NPAD - N), (0, 0)))
    b_emb2 = b_emb.reshape(1, H)
    b_gcn2 = b_gcn.reshape(1, H)
    b_f2 = b_f.reshape(1, C)
    W_ts = jnp.concatenate([W_t, W_s], axis=1)
    b_ts = jnp.concatenate([b_t, b_s]).reshape(1, 2)
    zeros_h2 = jnp.zeros((NPAD, H // 2), jnp.float32)
    zeros_c2 = jnp.zeros((NPAD, C // 2), jnp.float32)
    ones16w = jnp.ones((128, 16), jnp.float32)
    zeros16w = jnp.zeros((NPAD, 16), jnp.float32)

    degp = _degree_partials(dst3d_deg, ones16w, zeros16w)
    g1 = _mm_tc(x_pad, W_emb, b_emb2, W_gcn)
    t1s2, dinv = _scale_tc(g1, degp)
    acc1 = _edge_scatter_add(t1s2, src3d, dst3d, zeros_h2, H // 2)
    g2, t2s2, comb = _mid_tc(acc1, g1, dinv, b_gcn2, W_f, W_ts, b_ts)
    acc2 = _edge_scatter_add(t2s2, src3d, dst3d, zeros_c2, C // 2)
    out_full = _post_tc(acc2, g2, dinv, b_f2)
    return (out_full[:N], comb[0])

# --- scband reference (transcript-rebuilt; emitter-appended) ---
"""Pipeline reference for scband-etsa-50311246905445 (READ-ONLY COPY).

The authoritative reference and input builder live on the scoring server;
editing this copy changes nothing except your own understanding.
"""

import jax, jax.numpy as jnp
import numpy as np

N = 10000
E = 320000
F = 128
H = 128
C = 64


def gcn_conv(x, edge_index, W, b):
    # PyG-style GCNConv: x' = D^{-1/2} (A + I) D^{-1/2} (x W) + b
    n = x.shape[0]
    h = x @ W
    loop = jnp.arange(n, dtype=edge_index.dtype)
    src = jnp.concatenate([edge_index[0], loop])
    dst = jnp.concatenate([edge_index[1], loop])
    deg = jnp.zeros((n,), h.dtype).at[dst].add(1.0)
    dinv = jnp.where(deg > 0, 1.0 / jnp.sqrt(deg), 0.0)
    norm = dinv[src] * dinv[dst]
    msg = h[src] * norm[:, None]
    out = jnp.zeros_like(h).at[dst].add(msg)
    return out + b


def setup_inputs(seed: int = 0) -> dict:
    key = jax.random.key(seed)
    ks = jax.random.split(key, 14)
    x = jax.random.normal(ks[0], (N, F), dtype=jnp.float32)
    edge_index = jax.random.randint(ks[1], (2, E), 0, N).astype(jnp.int64)
    s = 0.05
    W_emb = jax.random.normal(ks[2], (F, H), dtype=jnp.float32) * s
    b_emb = jnp.zeros((H,), dtype=jnp.float32)
    W_gcn = jax.random.normal(ks[3], (H, H), dtype=jnp.float32) * s
    b_gcn = jnp.zeros((H,), dtype=jnp.float32)
    W_t = jax.random.normal(ks[4], (H, 1), dtype=jnp.float32) * s
    b_t = jnp.zeros((1,), dtype=jnp.float32)
    W_s = jax.random.normal(ks[5], (H, 1), dtype=jnp.float32) * s
    b_s = jnp.zeros((1,), dtype=jnp.float32)
    W_f = jax.random.normal(ks[6], (H, C), dtype=jnp.float32) * s
    b_f = jnp.zeros((C,), dtype=jnp.float32)
    return {"x": x, "edge_index": edge_index, "W_emb": W_emb, "b_emb": b_emb,
            "W_gcn": W_gcn, "b_gcn": b_gcn, "W_t": W_t, "b_t": b_t,
            "W_s": W_s, "b_s": b_s, "W_f": W_f, "b_f": b_f}


def reference(x, edge_index, W_emb, b_emb, W_gcn, b_gcn, W_t, b_t, W_s, b_s, W_f, b_f):
    h = x @ W_emb + b_emb
    h = jax.nn.relu(gcn_conv(h, edge_index, W_gcn, b_gcn))
    # dropout is identity in eval mode
    t_att = jax.nn.sigmoid(h @ W_t + b_t)
    teacher_rep = jnp.sum(h * t_att, axis=0)
    s_att = jax.nn.sigmoid(h @ W_s + b_s)
    student_rep = jnp.sum(h * s_att, axis=0)
    combined = teacher_rep + student_rep
    out = gcn_conv(h, edge_index, W_f, b_f)
    return (out, combined)

if __name__ == "__main__":
    import jax
    _d = setup_inputs()
    print(jax.jit(kernel)(*tuple(_d.values())))

</pallas_src>

<mosaic_0001>
#map = affine_map<(d0, d1) -> (0, 0, 0)>
#map1 = affine_map<(d0, d1) -> (0, 0)>
module attributes {stable_mosaic.version = 14 : i64} {
  func.func @_deg_body(%arg0: i32, %arg1: i32, %arg2: memref<32x80x128xi32, #tpu.memory_space<hbm>>, %arg3: memref<128x16xf32, #tpu.memory_space<hbm>>, %arg4: memref<10240x16xf32, #tpu.memory_space<hbm>>, %arg5: memref<2x10240x16xf32, #tpu.memory_space<hbm>>, %arg6: memref<80x128xi32, #tpu.memory_space<vmem>>, %arg7: memref<128x16xf32, #tpu.memory_space<vmem>>, %arg8: memref<10240x16xf32, #tpu.memory_space<vmem_shared>>) attributes {dimension_semantics = [#tpu.dimension_semantics<core_parallel>, #tpu.dimension_semantics<subcore_parallel>], iteration_bounds = array<i64: 2, 16>, scalar_prefetch = 0 : i64, scratch_operands = 3 : i64, tpu.core_type = #tpu.core_type<sc_vector_subcore>, window_params = [{transform_indices = #map}, {transform_indices = #map1}, {transform_indices = #map1}, {transform_indices = #map}]} {
    %mul3A = arith.constant 16 : i32
    %mul3A_0 = arith.muli %arg0, %mul3A : i32
    %add3A = arith.addi %mul3A_0, %arg1 : i32
    "tpu.region"() ({
      %run_scoped3A = tpu.sem_alloc : memref<!tpu.dma_semaphore, #tpu.memory_space<semaphore_mem>>
      %dma_start3A = arith.constant 0 : i32
      %dma_start3A_15 = arith.constant 0 : i32
      %dma_start3A_16 = tpu.memref_slice %arg2[%add3A, %dma_start3A, %dma_start3A_15] : memref<32x80x128xi32, #tpu.memory_space<hbm>> -> memref<1x80x128xi32, #tpu.memory_space<hbm>>
      %dma_start3A_17 = tpu.memref_squeeze %dma_start3A_16 : memref<1x80x128xi32, #tpu.memory_space<hbm>> -> memref<80x128xi32, #tpu.memory_space<hbm>>
      %dma_start3A_18 = arith.constant 0 : i32
      %dma_start3A_19 = arith.constant 0 : i32
      %dma_start3A_20 = tpu.memref_slice %arg2[%add3A, %dma_start3A_18, %dma_start3A_19] : memref<32x80x128xi32, #tpu.memory_space<hbm>> -> memref<1x80x128xi32, #tpu.memory_space<hbm>>
      %dma_start3A_21 = tpu.memref_squeeze %dma_start3A_20 : memref<1x80x128xi32, #tpu.memory_space<hbm>> -> memref<80x128xi32, #tpu.memory_space<hbm>>
      tpu.enqueue_dma source(%dma_start3A_21 : memref<80x128xi32, #tpu.memory_space<hbm>>) target(%arg6 : memref<80x128xi32, #tpu.memory_space<vmem>>) target_semaphore(%run_scoped3A : memref<!tpu.dma_semaphore, #tpu.memory_space<semaphore_mem>>)
      %dma_wait3A = arith.constant 0 : i32
      %dma_wait3A_22 = arith.constant 0 : i32
      %dma_wait3A_23 = tpu.memref_slice %arg2[%add3A, %dma_wait3A, %dma_wait3A_22] : memref<32x80x128xi32, #tpu.memory_space<hbm>> -> memref<1x80x128xi32, #tpu.memory_space<hbm>>
      %dma_wait3A_24 = tpu.memref_squeeze %dma_wait3A_23 : memref<1x80x128xi32, #tpu.memory_space<hbm>> -> memref<80x128xi32, #tpu.memory_space<hbm>>
      %dma_wait3A_25 = arith.constant 0 : i32
      %dma_wait3A_26 = arith.constant 0 : i32
      %dma_wait3A_27 = tpu.memref_slice %arg2[%add3A, %dma_wait3A_25, %dma_wait3A_26] : memref<32x80x128xi32, #tpu.memory_space<hbm>> -> memref<1x80x128xi32, #tpu.memory_space<hbm>>
      %dma_wait3A_28 = tpu.memref_squeeze %dma_wait3A_27 : memref<1x80x128xi32, #tpu.memory_space<hbm>> -> memref<80x128xi32, #tpu.memory_space<hbm>>
      tpu.wait_dma2 semaphore(%run_scoped3A : memref<!tpu.dma_semaphore, #tpu.memory_space<semaphore_mem>>) src(%dma_wait3A_28 : memref<80x128xi32, #tpu.memory_space<hbm>>) dst(%arg6 : memref<80x128xi32, #tpu.memory_space<vmem>>)
      tpu.yield
    }) : () -> ()
    "tpu.region"() ({
      %run_scoped3A = tpu.sem_alloc : memref<!tpu.dma_semaphore, #tpu.memory_space<semaphore_mem>>
      tpu.enqueue_dma source(%arg3 : memref<128x16xf32, #tpu.memory_space<hbm>>) target(%arg7 : memref<128x16xf32, #tpu.memory_space<vmem>>) target_semaphore(%run_scoped3A : memref<!tpu.dma_semaphore, #tpu.memory_space<semaphore_mem>>)
      tpu.wait_dma2 semaphore(%run_scoped3A : memref<!tpu.dma_semaphore, #tpu.memory_space<semaphore_mem>>) src(%arg3 : memref<128x16xf32, #tpu.memory_space<hbm>>) dst(%arg7 : memref<128x16xf32, #tpu.memory_space<vmem>>)
      tpu.yield
    }) : () -> ()
    %mul3A_1 = arith.constant 640 : i32
    %mul3A_2 = arith.muli %arg1, %mul3A_1 : i32
    %mul3A_3 = arith.constant 640 : i32
    %mul3A_4 = arith.muli %arg1, %mul3A_3 : i32
    "tpu.region"() ({
      %run_scoped3A = tpu.sem_alloc : memref<!tpu.dma_semaphore, #tpu.memory_space<semaphore_mem>>
      %dma_start3A = arith.constant 0 : i32
      %dma_start3A_15 = tpu.memref_slice %arg8[%mul3A_4, %dma_start3A] : memref<10240x16xf32, #tpu.memory_space<vmem_shared>> -> memref<640x16xf32, #tpu.memory_space<vmem_shared>>
      %dma_start3A_16 = arith.constant 0 : i32
      %dma_start3A_17 = tpu.memref_slice %arg4[%mul3A_2, %dma_start3A_16] : memref<10240x16xf32, #tpu.memory_space<hbm>> -> memref<640x16xf32, #tpu.memory_space<hbm>>
      tpu.enqueue_dma source(%dma_start3A_17 : memref<640x16xf32, #tpu.memory_space<hbm>>) target(%dma_start3A_15 : memref<640x16xf32, #tpu.memory_space<vmem_shared>>) target_semaphore(%run_scoped3A : memref<!tpu.dma_semaphore, #tpu.memory_space<semaphore_mem>>)
      %dma_wait3A = arith.constant 0 : i32
      %dma_wait3A_18 = tpu.memref_slice %arg8[%mul3A_4, %dma_wait3A] : memref<10240x16xf32, #tpu.memory_space<vmem_shared>> -> memref<640x16xf32, #tpu.memory_space<vmem_shared>>
      %dma_wait3A_19 = arith.constant 0 : i32
      %dma_wait3A_20 = tpu.memref_slice %arg4[%mul3A_2, %dma_wait3A_19] : memref<10240x16xf32, #tpu.memory_space<hbm>> -> memref<640x16xf32, #tpu.memory_space<hbm>>
      tpu.wait_dma2 semaphore(%run_scoped3A : memref<!tpu.dma_semaphore, #tpu.memory_space<semaphore_mem>>) src(%dma_wait3A_20 : memref<640x16xf32, #tpu.memory_space<hbm>>) dst(%dma_wait3A_18 : memref<640x16xf32, #tpu.memory_space<vmem_shared>>)
      tpu.yield
    }) : () -> ()
    %barrier3A = arith.constant 0 : index
    tpu.barrier barrier_id(%barrier3A)
    %scan3A = arith.constant 0 : i32
    %scan3A_5 = arith.constant 0 : i32
    %scan3A_6 = arith.constant 80 : i32
    %scan3A_7 = arith.addi %scan3A_5, %scan3A_6 : i32
    %scan3A_8 = arith.constant 1 : i32
    scf.for %scan3A_15 = %scan3A_5 to %scan3A_7 step %scan3A_8  : i32 {
      "tpu.region"() ({
        %run_scoped3A = tpu.sem_alloc : memref<!tpu.dma_semaphore, #tpu.memory_space<semaphore_mem>>
        %dma_start3A = arith.constant 0 : i32
        %dma_start3A_16 = tpu.memref_slice %arg6[%scan3A_15, %dma_start3A] : memref<80x128xi32, #tpu.memory_space<vmem>> -> memref<1x128xi32, #tpu.memory_space<vmem>>
        %dma_start3A_17 = tpu.memref_squeeze %dma_start3A_16 : memref<1x128xi32, #tpu.memory_space<vmem>> -> memref<128xi32, #tpu.memory_space<vmem>>
        %dma_start3A_18 = arith.constant 0 : i32
        %dma_start3A_19 = arith.constant 0 : i32
        %dma_start3A_20 = tpu.memref_slice %arg8[%dma_start3A_18, %dma_start3A_19] : memref<10240x16xf32, #tpu.memory_space<vmem_shared>> -> memref<10240x16xf32, #tpu.memory_space<vmem_shared>>
        tpu.enqueue_indirect_dma source(%arg7 : memref<128x16xf32, #tpu.memory_space<vmem>>) target(%dma_start3A_20 : memref<10240x16xf32, #tpu.memory_space<vmem_shared>>) offsets(%dma_start3A_17 : memref<128xi32, #tpu.memory_space<vmem>>) semaphore(%run_scoped3A : memref<!tpu.dma_semaphore, #tpu.memory_space<semaphore_mem>>) {add = true}
        %dma_wait3A = arith.constant 0 : i32
        %dma_wait3A_21 = tpu.memref_slice %arg6[%scan3A_15, %dma_wait3A] : memref<80x128xi32, #tpu.memory_space<vmem>> -> memref<1x128xi32, #tpu.memory_space<vmem>>
        %dma_wait3A_22 = tpu.memref_squeeze %dma_wait3A_21 : memref<1x128xi32, #tpu.memory_space<vmem>> -> memref<128xi32, #tpu.memory_space<vmem>>
        %dma_wait3A_23 = arith.constant 0 : i32
        %dma_wait3A_24 = arith.constant 0 : i32
        %dma_wait3A_25 = tpu.memref_slice %arg8[%dma_wait3A_23, %dma_wait3A_24] : memref<10240x16xf32, #tpu.memory_space<vmem_shared>> -> memref<10240x16xf32, #tpu.memory_space<vmem_shared>>
        tpu.wait_indirect_dma semaphore(%run_scoped3A : memref<!tpu.dma_semaphore, #tpu.memory_space<semaphore_mem>>) src(%arg7 : memref<128x16xf32, #tpu.memory_space<vmem>>) dst(%dma_wait3A_25 : memref<10240x16xf32, #tpu.memory_space<vmem_shared>>)
        tpu.yield
      }) : () -> ()
    }
    %scan3A_9 = arith.constant 80 : i32
    %barrier3A_10 = arith.constant 0 : index
    tpu.barrier barrier_id(%barrier3A_10)
    %mul3A_11 = arith.constant 640 : i32
    %mul3A_12 = arith.muli %arg1, %mul3A_11 : i32
    %mul3A_13 = arith.constant 640 : i32
    %mul3A_14 = arith.muli %arg1, %mul3A_13 : i32
    "tpu.region"() ({
      %run_scoped3A = tpu.sem_alloc : memref<!tpu.dma_semaphore, #tpu.memory_space<semaphore_mem>>
      %dma_start3A = arith.constant 0 : i32
      %dma_start3A_15 = tpu.memref_slice %arg5[%arg0, %mul3A_14, %dma_start3A] : memref<2x10240x16xf32, #tpu.memory_space<hbm>> -> memref<1x640x16xf32, #tpu.memory_space<hbm>>
      %dma_start3A_16 = tpu.memref_squeeze %dma_start3A_15 : memref<1x640x16xf32, #tpu.memory_space<hbm>> -> memref<640x16xf32, #tpu.memory_space<hbm>>
      %dma_start3A_17 = arith.constant 0 : i32
      %dma_start3A_18 = tpu.memref_slice %arg8[%mul3A_12, %dma_start3A_17] : memref<10240x16xf32, #tpu.memory_space<vmem_shared>> -> memref<640x16xf32, #tpu.memory_space<vmem_shared>>
      tpu.enqueue_dma source(%dma_start3A_18 : memref<640x16xf32, #tpu.memory_space<vmem_shared>>) target(%dma_start3A_16 : memref<640x16xf32, #tpu.memory_space<hbm>>) target_semaphore(%run_scoped3A : memref<!tpu.dma_semaphore, #tpu.memory_space<semaphore_mem>>)
      %dma_wait3A = arith.constant 0 : i32
      %dma_wait3A_19 = tpu.memref_slice %arg5[%arg0, %mul3A_14, %dma_wait3A] : memref<2x10240x16xf32, #tpu.memory_space<hbm>> -> memref<1x640x16xf32, #tpu.memory_space<hbm>>
      %dma_wait3A_20 = tpu.memref_squeeze %dma_wait3A_19 : memref<1x640x16xf32, #tpu.memory_space<hbm>> -> memref<640x16xf32, #tpu.memory_space<hbm>>
      %dma_wait3A_21 = arith.constant 0 : i32
      %dma_wait3A_22 = tpu.memref_slice %arg8[%mul3A_12, %dma_wait3A_21] : memref<10240x16xf32, #tpu.memory_space<vmem_shared>> -> memref<640x16xf32, #tpu.memory_space<vmem_shared>>
      tpu.wait_dma2 semaphore(%run_scoped3A : memref<!tpu.dma_semaphore, #tpu.memory_space<semaphore_mem>>) src(%dma_wait3A_22 : memref<640x16xf32, #tpu.memory_space<vmem_shared>>) dst(%dma_wait3A_20 : memref<640x16xf32, #tpu.memory_space<hbm>>)
      tpu.yield
    }) : () -> ()
    return
  }
}

#map = affine_map<(d0, d1) -> (0, 0, 0)>
#map1 = affine_map<(d0, d1) -> (0, 0)>
module attributes {stable_mosaic.version = 14 : i64} {
  func.func @_gather_scatter_body(%arg0: i32, %arg1: i32, %arg2: memref<2x10240x32xf32, #tpu.memory_space<hbm>>, %arg3: memref<16x160x128xi32, #tpu.memory_space<hbm>>, %arg4: memref<16x160x128xi32, #tpu.memory_space<hbm>>, %arg5: memref<10240x32xf32, #tpu.memory_space<hbm>>, %arg6: memref<2x10240x32xf32, #tpu.memory_space<hbm>>, %arg7: memref<80x128xi32, #tpu.memory_space<vmem>>, %arg8: memref<80x128xi32, #tpu.memory_space<vmem>>, %arg9: memref<128x32xf32, #tpu.memory_space<vmem>>, %arg10: memref<128x32xf32, #tpu.memory_space<vmem>>, %arg11: memref<10240x32xf32, #tpu.memory_space<vmem_shared>>, %arg12: memref<10240x32xf32, #tpu.memory_space<vmem_shared>>, %arg13: memref<!tpu.dma_semaphore, #tpu.memory_space<semaphore_mem>>, %arg14: memref<!tpu.dma_semaphore, #tpu.memory_space<semaphore_mem>>) attributes {dimension_semantics = [#tpu.dimension_semantics<core_parallel>, #tpu.dimension_semantics<subcore_parallel>], iteration_bounds = array<i64: 2, 16>, scalar_prefetch = 0 : i64, scratch_operands = 8 : i64, tpu.core_type = #tpu.core_type<sc_vector_subcore>, window_params = [{transform_indices = #map}, {transform_indices = #map}, {transform_indices = #map}, {transform_indices = #map1}, {transform_indices = #map}]} {
    %mul3A = arith.constant 640 : i32
    %mul3A_0 = arith.muli %arg1, %mul3A : i32
    "tpu.region"() ({
      %run_scoped3A = tpu.sem_alloc : memref<!tpu.dma_semaphore, #tpu.memory_space<semaphore_mem>>
      %dma_start3A_26 = arith.constant 0 : i32
      %dma_start3A_27 = tpu.memref_slice %arg11[%mul3A_0, %dma_start3A_26] : memref<10240x32xf32, #tpu.memory_space<vmem_shared>> -> memref<640x32xf32, #tpu.memory_space<vmem_shared>>
      %dma_start3A_28 = arith.constant 0 : i32
      %dma_start3A_29 = tpu.memref_slice %arg2[%arg0, %mul3A_0, %dma_start3A_28] : memref<2x10240x32xf32, #tpu.memory_space<hbm>> -> memref<1x640x32xf32, #tpu.memory_space<hbm>>
      %dma_start3A_30 = tpu.memref_squeeze %dma_start3A_29 : memref<1x640x32xf32, #tpu.memory_space<hbm>> -> memref<640x32xf32, #tpu.memory_space<hbm>>
      tpu.enqueue_dma source(%dma_start3A_30 : memref<640x32xf32, #tpu.memory_space<hbm>>) target(%dma_start3A_27 : memref<640x32xf32, #tpu.memory_space<vmem_shared>>) target_semaphore(%run_scoped3A : memref<!tpu.dma_semaphore, #tpu.memory_space<semaphore_mem>>)
      %dma_wait3A = arith.constant 0 : i32
      %dma_wait3A_31 = tpu.memref_slice %arg11[%mul3A_0, %dma_wait3A] : memref<10240x32xf32, #tpu.memory_space<vmem_shared>> -> memref<640x32xf32, #tpu.memory_space<vmem_shared>>
      %dma_wait3A_32 = arith.constant 0 : i32
      %dma_wait3A_33 = tpu.memref_slice %arg2[%arg0, %mul3A_0, %dma_wait3A_32] : memref<2x10240x32xf32, #tpu.memory_space<hbm>> -> memref<1x640x32xf32, #tpu.memory_space<hbm>>
      %dma_wait3A_34 = tpu.memref_squeeze %dma_wait3A_33 : memref<1x640x32xf32, #tpu.memory_space<hbm>> -> memref<640x32xf32, #tpu.memory_space<hbm>>
      tpu.wait_dma2 semaphore(%run_scoped3A : memref<!tpu.dma_semaphore, #tpu.memory_space<semaphore_mem>>) src(%dma_wait3A_34 : memref<640x32xf32, #tpu.memory_space<hbm>>) dst(%dma_wait3A_31 : memref<640x32xf32, #tpu.memory_space<vmem_shared>>)
      tpu.yield
    }) : () -> ()
    "tpu.region"() ({
      %run_scoped3A = tpu.sem_alloc : memref<!tpu.dma_semaphore, #tpu.memory_space<semaphore_mem>>
      %dma_start3A_26 = arith.constant 0 : i32
      %dma_start3A_27 = tpu.memref_slice %arg12[%mul3A_0, %dma_start3A_26] : memref<10240x32xf32, #tpu.memory_space<vmem_shared>> -> memref<640x32xf32, #tpu.memory_space<vmem_shared>>
      %dma_start3A_28 = arith.constant 0 : i32
      %dma_start3A_29 = tpu.memref_slice %arg5[%mul3A_0, %dma_start3A_28] : memref<10240x32xf32, #tpu.memory_space<hbm>> -> memref<640x32xf32, #tpu.memory_space<hbm>>
      tpu.enqueue_dma source(%dma_start3A_29 : memref<640x32xf32, #tpu.memory_space<hbm>>) target(%dma_start3A_27 : memref<640x32xf32, #tpu.memory_space<vmem_shared>>) target_semaphore(%run_scoped3A : memref<!tpu.dma_semaphore, #tpu.memory_space<semaphore_mem>>)
      %dma_wait3A = arith.constant 0 : i32
      %dma_wait3A_30 = tpu.memref_slice %arg12[%mul3A_0, %dma_wait3A] : memref<10240x32xf32, #tpu.memory_space<vmem_shared>> -> memref<640x32xf32, #tpu.memory_space<vmem_shared>>
      %dma_wait3A_31 = arith.constant 0 : i32
      %dma_wait3A_32 = tpu.memref_slice %arg5[%mul3A_0, %dma_wait3A_31] : memref<10240x32xf32, #tpu.memory_space<hbm>> -> memref<640x32xf32, #tpu.memory_space<hbm>>
      tpu.wait_dma2 semaphore(%run_scoped3A : memref<!tpu.dma_semaphore, #tpu.memory_space<semaphore_mem>>) src(%dma_wait3A_32 : memref<640x32xf32, #tpu.memory_space<hbm>>) dst(%dma_wait3A_30 : memref<640x32xf32, #tpu.memory_space<vmem_shared>>)
      tpu.yield
    }) : () -> ()
    %barrier3A = arith.constant 0 : index
    tpu.barrier barrier_id(%barrier3A)
    "tpu.region"() ({
      %run_scoped3A = tpu.sem_alloc : memref<!tpu.dma_semaphore, #tpu.memory_space<semaphore_mem>>
      %dma_start3A_26 = arith.constant 0 : i32
      %dma_start3A_27 = arith.constant 0 : i32
      %dma_start3A_28 = tpu.memref_slice %arg3[%arg1, %dma_start3A_26, %dma_start3A_27] : memref<16x160x128xi32, #tpu.memory_space<hbm>> -> memref<1x80x128xi32, #tpu.memory_space<hbm>>
      %dma_start3A_29 = tpu.memref_squeeze %dma_start3A_28 : memref<1x80x128xi32, #tpu.memory_space<hbm>> -> memref<80x128xi32, #tpu.memory_space<hbm>>
      %dma_start3A_30 = arith.constant 0 : i32
      %dma_start3A_31 = arith.constant 0 : i32
      %dma_start3A_32 = tpu.memref_slice %arg3[%arg1, %dma_start3A_30, %dma_start3A_31] : memref<16x160x128xi32, #tpu.memory_space<hbm>> -> memref<1x80x128xi32, #tpu.memory_space<hbm>>
      %dma_start3A_33 = tpu.memref_squeeze %dma_start3A_32 : memref<1x80x128xi32, #tpu.memory_space<hbm>> -> memref<80x128xi32, #tpu.memory_space<hbm>>
      tpu.enqueue_dma source(%dma_start3A_33 : memref<80x128xi32, #tpu.memory_space<hbm>>) target(%arg7 : memref<80x128xi32, #tpu.memory_space<vmem>>) target_semaphore(%run_scoped3A : memref<!tpu.dma_semaphore, #tpu.memory_space<semaphore_mem>>)
      %dma_wait3A = arith.constant 0 : i32
      %dma_wait3A_34 = arith.constant 0 : i32
      %dma_wait3A_35 = tpu.memref_slice %arg3[%arg1, %dma_wait3A, %dma_wait3A_34] : memref<16x160x128xi32, #tpu.memory_space<hbm>> -> memref<1x80x128xi32, #tpu.memory_space<hbm>>
      %dma_wait3A_36 = tpu.memref_squeeze %dma_wait3A_35 : memref<1x80x128xi32, #tpu.memory_space<hbm>> -> memref<80x128xi32, #tpu.memory_space<hbm>>
      %dma_wait3A_37 = arith.constant 0 : i32
      %dma_wait3A_38 = arith.constant 0 : i32
      %dma_wait3A_39 = tpu.memref_slice %arg3[%arg1, %dma_wait3A_37, %dma_wait3A_38] : memref<16x160x128xi32, #tpu.memory_space<hbm>> -> memref<1x80x128xi32, #tpu.memory_space<hbm>>
      %dma_wait3A_40 = tpu.memref_squeeze %dma_wait3A_39 : memref<1x80x128xi32, #tpu.memory_space<hbm>> -> memref<80x128xi32, #tpu.memory_space<hbm>>
      tpu.wait_dma2 semaphore(%run_scoped3A : memref<!tpu.dma_semaphore, #tpu.memory_space<semaphore_mem>>) src(%dma_wait3A_40 : memref<80x128xi32, #tpu.memory_space<hbm>>) dst(%arg7 : memref<80x128xi32, #tpu.memory_space<vmem>>)
      tpu.yield
    }) : () -> ()
    "tpu.region"() ({
      %run_scoped3A = tpu.sem_alloc : memref<!tpu.dma_semaphore, #tpu.memory_space<semaphore_mem>>
      %dma_start3A_26 = arith.constant 0 : i32
      %dma_start3A_27 = arith.constant 0 : i32
      %dma_start3A_28 = tpu.memref_slice %arg4[%arg1, %dma_start3A_26, %dma_start3A_27] : memref<16x160x128xi32, #tpu.memory_space<hbm>> -> memref<1x80x128xi32, #tpu.memory_space<hbm>>
      %dma_start3A_29 = tpu.memref_squeeze %dma_start3A_28 : memref<1x80x128xi32, #tpu.memory_space<hbm>> -> memref<80x128xi32, #tpu.memory_space<hbm>>
      %dma_start3A_30 = arith.constant 0 : i32
      %dma_start3A_31 = arith.constant 0 : i32
      %dma_start3A_32 = tpu.memref_slice %arg4[%arg1, %dma_start3A_30, %dma_start3A_31] : memref<16x160x128xi32, #tpu.memory_space<hbm>> -> memref<1x80x128xi32, #tpu.memory_space<hbm>>
      %dma_start3A_33 = tpu.memref_squeeze %dma_start3A_32 : memref<1x80x128xi32, #tpu.memory_space<hbm>> -> memref<80x128xi32, #tpu.memory_space<hbm>>
      tpu.enqueue_dma source(%dma_start3A_33 : memref<80x128xi32, #tpu.memory_space<hbm>>) target(%arg8 : memref<80x128xi32, #tpu.memory_space<vmem>>) target_semaphore(%run_scoped3A : memref<!tpu.dma_semaphore, #tpu.memory_space<semaphore_mem>>)
      %dma_wait3A = arith.constant 0 : i32
      %dma_wait3A_34 = arith.constant 0 : i32
      %dma_wait3A_35 = tpu.memref_slice %arg4[%arg1, %dma_wait3A, %dma_wait3A_34] : memref<16x160x128xi32, #tpu.memory_space<hbm>> -> memref<1x80x128xi32, #tpu.memory_space<hbm>>
      %dma_wait3A_36 = tpu.memref_squeeze %dma_wait3A_35 : memref<1x80x128xi32, #tpu.memory_space<hbm>> -> memref<80x128xi32, #tpu.memory_space<hbm>>
      %dma_wait3A_37 = arith.constant 0 : i32
      %dma_wait3A_38 = arith.constant 0 : i32
      %dma_wait3A_39 = tpu.memref_slice %arg4[%arg1, %dma_wait3A_37, %dma_wait3A_38] : memref<16x160x128xi32, #tpu.memory_space<hbm>> -> memref<1x80x128xi32, #tpu.memory_space<hbm>>
      %dma_wait3A_40 = tpu.memref_squeeze %dma_wait3A_39 : memref<1x80x128xi32, #tpu.memory_space<hbm>> -> memref<80x128xi32, #tpu.memory_space<hbm>>
      tpu.wait_dma2 semaphore(%run_scoped3A : memref<!tpu.dma_semaphore, #tpu.memory_space<semaphore_mem>>) src(%dma_wait3A_40 : memref<80x128xi32, #tpu.memory_space<hbm>>) dst(%arg8 : memref<80x128xi32, #tpu.memory_space<vmem>>)
      tpu.yield
    }) : () -> ()
    %dma_start3A = arith.constant 0 : i32
    %dma_start3A_1 = arith.constant 0 : i32
    %dma_start3A_2 = tpu.memref_slice %arg7[%dma_start3A, %dma_start3A_1] : memref<80x128xi32, #tpu.memory_space<vmem>> -> memref<1x128xi32, #tpu.memory_space<vmem>>
    %dma_start3A_3 = tpu.memref_squeeze %dma_start3A_2 : memref<1x128xi32, #tpu.memory_space<vmem>> -> memref<128xi32, #tpu.memory_space<vmem>>
    %dma_start3A_4 = arith.constant 0 : i32
    %dma_start3A_5 = arith.constant 0 : i32
    %dma_start3A_6 = tpu.memref_slice %arg11[%dma_start3A_4, %dma_start3A_5] : memref<10240x32xf32, #tpu.memory_space<vmem_shared>> -> memref<10240x32xf32, #tpu.memory_space<vmem_shared>>
    tpu.enqueue_indirect_dma source(%dma_start3A_6 : memref<10240x32xf32, #tpu.memory_space<vmem_shared>>) target(%arg9 : memref<128x32xf32, #tpu.memory_space<vmem>>) offsets(%dma_start3A_3 : memref<128xi32, #tpu.memory_space<vmem>>) semaphore(%arg13 : memref<!tpu.dma_semaphore, #tpu.memory_space<semaphore_mem>>)
    %scan3A = arith.constant 0 : i32
    %scan3A_7 = arith.constant 0 : i32
    %scan3A_8 = arith.constant 40 : i32
    %scan3A_9 = arith.addi %scan3A_7, %scan3A_8 : i32
    %scan3A_10 = arith.constant 1 : i32
    scf.for %scan3A_26 = %scan3A_7 to %scan3A_9 step %scan3A_10  : i32 {
      %mul3A_27 = arith.constant 2 : i32
      %mul3A_28 = arith.muli %scan3A_26, %mul3A_27 : i32
      %add3A = arith.constant 1 : i32
      %add3A_29 = arith.addi %mul3A_28, %add3A : i32
      %dma_start3A_30 = arith.constant 0 : i32
      %dma_start3A_31 = tpu.memref_slice %arg7[%add3A_29, %dma_start3A_30] : memref<80x128xi32, #tpu.memory_space<vmem>> -> memref<1x128xi32, #tpu.memory_space<vmem>>
      %dma_start3A_32 = tpu.memref_squeeze %dma_start3A_31 : memref<1x128xi32, #tpu.memory_space<vmem>> -> memref<128xi32, #tpu.memory_space<vmem>>
      %dma_start3A_33 = arith.constant 0 : i32
      %dma_start3A_34 = arith.constant 0 : i32
      %dma_start3A_35 = tpu.memref_slice %arg11[%dma_start3A_33, %dma_start3A_34] : memref<10240x32xf32, #tpu.memory_space<vmem_shared>> -> memref<10240x32xf32, #tpu.memory_space<vmem_shared>>
      tpu.enqueue_indirect_dma source(%dma_start3A_35 : memref<10240x32xf32, #tpu.memory_space<vmem_shared>>) target(%arg10 : memref<128x32xf32, #tpu.memory_space<vmem>>) offsets(%dma_start3A_32 : memref<128xi32, #tpu.memory_space<vmem>>) semaphore(%arg14 : memref<!tpu.dma_semaphore, #tpu.memory_space<semaphore_mem>>)
      %dma_wait3A = arith.constant 0 : i32
      %dma_wait3A_36 = tpu.memref_slice %arg7[%mul3A_28, %dma_wait3A] : memref<80x128xi32, #tpu.memory_space<vmem>> -> memref<1x128xi32, #tpu.memory_space<vmem>>
      %dma_wait3A_37 = tpu.memref_squeeze %dma_wait3A_36 : memref<1x128xi32, #tpu.memory_space<vmem>> -> memref<128xi32, #tpu.memory_space<vmem>>
      %dma_wait3A_38 = arith.constant 0 : i32
      %dma_wait3A_39 = arith.constant 0 : i32
      %dma_wait3A_40 = tpu.memref_slice %arg11[%dma_wait3A_38, %dma_wait3A_39] : memref<10240x32xf32, #tpu.memory_space<vmem_shared>> -> memref<10240x32xf32, #tpu.memory_space<vmem_shared>>
      tpu.wait_indirect_dma semaphore(%arg13 : memref<!tpu.dma_semaphore, #tpu.memory_space<semaphore_mem>>) src(%dma_wait3A_40 : memref<10240x32xf32, #tpu.memory_space<vmem_shared>>) dst(%arg9 : memref<128x32xf32, #tpu.memory_space<vmem>>)
      "tpu.region"() ({
        %run_scoped3A = tpu.sem_alloc : memref<!tpu.dma_semaphore, #tpu.memory_space<semaphore_mem>>
        %dma_start3A_53 = arith.constant 0 : i32
        %dma_start3A_54 = tpu.memref_slice %arg8[%mul3A_28, %dma_start3A_53] : memref<80x128xi32, #tpu.memory_space<vmem>> -> memref<1x128xi32, #tpu.memory_space<vmem>>
        %dma_start3A_55 = tpu.memref_squeeze %dma_start3A_54 : memref<1x128xi32, #tpu.memory_space<vmem>> -> memref<128xi32, #tpu.memory_space<vmem>>
        %dma_start3A_56 = arith.constant 0 : i32
        %dma_start3A_57 = arith.constant 0 : i32
        %dma_start3A_58 = tpu.memref_slice %arg12[%dma_start3A_56, %dma_start3A_57] : memref<10240x32xf32, #tpu.memory_space<vmem_shared>> -> memref<10240x32xf32, #tpu.memory_space<vmem_shared>>
        tpu.enqueue_indirect_dma source(%arg9 : memref<128x32xf32, #tpu.memory_space<vmem>>) target(%dma_start3A_58 : memref<10240x32xf32, #tpu.memory_space<vmem_shared>>) offsets(%dma_start3A_55 : memref<128xi32, #tpu.memory_space<vmem>>) semaphore(%run_scoped3A : memref<!tpu.dma_semaphore, #tpu.memory_space<semaphore_mem>>) {add = true}
        %dma_wait3A_59 = arith.constant 0 : i32
        %dma_wait3A_60 = tpu.memref_slice %arg8[%mul3A_28, %dma_wait3A_59] : memref<80x128xi32, #tpu.memory_space<vmem>> -> memref<1x128xi32, #tpu.memory_space<vmem>>
        %dma_wait3A_61 = tpu.memref_squeeze %dma_wait3A_60 : memref<1x128xi32, #tpu.memory_space<vmem>> -> memref<128xi32, #tpu.memory_space<vmem>>
        %dma_wait3A_62 = arith.constant 0 : i32
        %dma_wait3A_63 = arith.constant 0 : i32
        %dma_wait3A_64 = tpu.memref_slice %arg12[%dma_wait3A_62, %dma_wait3A_63] : memref<10240x32xf32, #tpu.memory_space<vmem_shared>> -> memref<10240x32xf32, #tpu.memory_space<vmem_shared>>
        tpu.wait_indirect_dma semaphore(%run_scoped3A : memref<!tpu.dma_semaphore, #tpu.memory_space<semaphore_mem>>) src(%arg9 : memref<128x32xf32, #tpu.memory_space<vmem>>) dst(%dma_wait3A_64 : memref<10240x32xf32, #tpu.memory_space<vmem_shared>>)
        tpu.yield
      }) : () -> ()
      %lt3A = arith.constant 39 : i32
      %lt3A_41 = arith.cmpi slt, %scan3A_26, %lt3A : i32
      %convert_element_type3A = arith.extui %lt3A_41 : i1 to i32
      %cond3A = arith.constant 0 : i32
      %cond3A_42 = arith.cmpi ne, %convert_element_type3A, %cond3A : i32
      scf.if %cond3A_42 {
        %add3A_53 = arith.constant 2 : i32
        %add3A_54 = arith.addi %mul3A_28, %add3A_53 : i32
        %dma_start3A_55 = arith.constant 0 : i32
        %dma_start3A_56 = tpu.memref_slice %arg7[%add3A_54, %dma_start3A_55] : memref<80x128xi32, #tpu.memory_space<vmem>> -> memref<1x128xi32, #tpu.memory_space<vmem>>
        %dma_start3A_57 = tpu.memref_squeeze %dma_start3A_56 : memref<1x128xi32, #tpu.memory_space<vmem>> -> memref<128xi32, #tpu.memory_space<vmem>>
        %dma_start3A_58 = arith.constant 0 : i32
        %dma_start3A_59 = arith.constant 0 : i32
        %dma_start3A_60 = tpu.memref_slice %arg11[%dma_start3A_58, %dma_start3A_59] : memref<10240x32xf32, #tpu.memory_space<vmem_shared>> -> memref<10240x32xf32, #tpu.memory_space<vmem_shared>>
        tpu.enqueue_indirect_dma source(%dma_start3A_60 : memref<10240x32xf32, #tpu.memory_space<vmem_shared>>) target(%arg9 : memref<128x32xf32, #tpu.memory_space<vmem>>) offsets(%dma_start3A_57 : memref<128xi32, #tpu.memory_space<vmem>>) semaphore(%arg13 : memref<!tpu.dma_semaphore, #tpu.memory_space<semaphore_mem>>)
      } else {
      }
      %add3A_43 = arith.constant 1 : i32
      %add3A_44 = arith.addi %mul3A_28, %add3A_43 : i32
      %dma_wait3A_45 = arith.constant 0 : i32
      %dma_wait3A_46 = tpu.memref_slice %arg7[%add3A_44, %dma_wait3A_45] : memref<80x128xi32, #tpu.memory_space<vmem>> -> memref<1x128xi32, #tpu.memory_space<vmem>>
      %dma_wait3A_47 = tpu.memref_squeeze %dma_wait3A_46 : memref<1x128xi32, #tpu.memory_space<vmem>> -> memref<128xi32, #tpu.memory_space<vmem>>
      %dma_wait3A_48 = arith.constant 0 : i32
      %dma_wait3A_49 = arith.constant 0 : i32
      %dma_wait3A_50 = tpu.memref_slice %arg11[%dma_wait3A_48, %dma_wait3A_49] : memref<10240x32xf32, #tpu.memory_space<vmem_shared>> -> memref<10240x32xf32, #tpu.memory_space<vmem_shared>>
      tpu.wait_indirect_dma semaphore(%arg14 : memref<!tpu.dma_semaphore, #tpu.memory_space<semaphore_mem>>) src(%dma_wait3A_50 : memref<10240x32xf32, #tpu.memory_space<vmem_shared>>) dst(%arg10 : memref<128x32xf32, #tpu.memory_space<vmem>>)
      %add3A_51 = arith.constant 1 : i32
      %add3A_52 = arith.addi %mul3A_28, %add3A_51 : i32
      "tpu.region"() ({
        %run_scoped3A = tpu.sem_alloc : memref<!tpu.dma_semaphore, #tpu.memory_space<semaphore_mem>>
        %dma_start3A_53 = arith.constant 0 : i32
        %dma_start3A_54 = tpu.memref_slice %arg8[%add3A_52, %dma_start3A_53] : memref<80x128xi32, #tpu.memory_space<vmem>> -> memref<1x128xi32, #tpu.memory_space<vmem>>
        %dma_start3A_55 = tpu.memref_squeeze %dma_start3A_54 : memref<1x128xi32, #tpu.memory_space<vmem>> -> memref<128xi32, #tpu.memory_space<vmem>>
        %dma_start3A_56 = arith.constant 0 : i32
        %dma_start3A_57 = arith.constant 0 : i32
        %dma_start3A_58 = tpu.memref_slice %arg12[%dma_start3A_56, %dma_start3A_57] : memref<10240x32xf32, #tpu.memory_space<vmem_shared>> -> memref<10240x32xf32, #tpu.memory_space<vmem_shared>>
        tpu.enqueue_indirect_dma source(%arg10 : memref<128x32xf32, #tpu.memory_space<vmem>>) target(%dma_start3A_58 : memref<10240x32xf32, #tpu.memory_space<vmem_shared>>) offsets(%dma_start3A_55 : memref<128xi32, #tpu.memory_space<vmem>>) semaphore(%run_scoped3A : memref<!tpu.dma_semaphore, #tpu.memory_space<semaphore_mem>>) {add = true}
        %dma_wait3A_59 = arith.constant 0 : i32
        %dma_wait3A_60 = tpu.memref_slice %arg8[%add3A_52, %dma_wait3A_59] : memref<80x128xi32, #tpu.memory_space<vmem>> -> memref<1x128xi32, #tpu.memory_space<vmem>>
        %dma_wait3A_61 = tpu.memref_squeeze %dma_wait3A_60 : memref<1x128xi32, #tpu.memory_space<vmem>> -> memref<128xi32, #tpu.memory_space<vmem>>
        %dma_wait3A_62 = arith.constant 0 : i32
        %dma_wait3A_63 = arith.constant 0 : i32
        %dma_wait3A_64 = tpu.memref_slice %arg12[%dma_wait3A_62, %dma_wait3A_63] : memref<10240x32xf32, #tpu.memory_space<vmem_shared>> -> memref<10240x32xf32, #tpu.memory_space<vmem_shared>>
        tpu.wait_indirect_dma semaphore(%run_scoped3A : memref<!tpu.dma_semaphore, #tpu.memory_space<semaphore_mem>>) src(%arg10 : memref<128x32xf32, #tpu.memory_space<vmem>>) dst(%dma_wait3A_64 : memref<10240x32xf32, #tpu.memory_space<vmem_shared>>)
        tpu.yield
      }) : () -> ()
    }
    %scan3A_11 = arith.constant 40 : i32
    "tpu.region"() ({
      %run_scoped3A = tpu.sem_alloc : memref<!tpu.dma_semaphore, #tpu.memory_space<semaphore_mem>>
      %dma_start3A_26 = arith.constant 80 : i32
      %dma_start3A_27 = arith.constant 0 : i32
      %dma_start3A_28 = tpu.memref_slice %arg3[%arg1, %dma_start3A_26, %dma_start3A_27] : memref<16x160x128xi32, #tpu.memory_space<hbm>> -> memref<1x80x128xi32, #tpu.memory_space<hbm>>
      %dma_start3A_29 = tpu.memref_squeeze %dma_start3A_28 : memref<1x80x128xi32, #tpu.memory_space<hbm>> -> memref<80x128xi32, #tpu.memory_space<hbm>>
      %dma_start3A_30 = arith.constant 80 : i32
      %dma_start3A_31 = arith.constant 0 : i32
      %dma_start3A_32 = tpu.memref_slice %arg3[%arg1, %dma_start3A_30, %dma_start3A_31] : memref<16x160x128xi32, #tpu.memory_space<hbm>> -> memref<1x80x128xi32, #tpu.memory_space<hbm>>
      %dma_start3A_33 = tpu.memref_squeeze %dma_start3A_32 : memref<1x80x128xi32, #tpu.memory_space<hbm>> -> memref<80x128xi32, #tpu.memory_space<hbm>>
      tpu.enqueue_dma source(%dma_start3A_33 : memref<80x128xi32, #tpu.memory_space<hbm>>) target(%arg7 : memref<80x128xi32, #tpu.memory_space<vmem>>) target_semaphore(%run_scoped3A : memref<!tpu.dma_semaphore, #tpu.memory_space<semaphore_mem>>)
      %dma_wait3A = arith.constant 80 : i32
      %dma_wait3A_34 = arith.constant 0 : i32
      %dma_wait3A_35 = tpu.memref_slice %arg3[%arg1, %dma_wait3A, %dma_wait3A_34] : memref<16x160x128xi32, #tpu.memory_space<hbm>> -> memref<1x80x128xi32, #tpu.memory_space<hbm>>
      %dma_wait3A_36 = tpu.memref_squeeze %dma_wait3A_35 : memref<1x80x128xi32, #tpu.memory_space<hbm>> -> memref<80x128xi32, #tpu.memory_space<hbm>>
      %dma_wait3A_37 = arith.constant 80 : i32
      %dma_wait3A_38 = arith.constant 0 : i32
      %dma_wait3A_39 = tpu.memref_slice %arg3[%arg1, %dma_wait3A_37, %dma_wait3A_38] : memref<16x160x128xi32, #tpu.memory_space<hbm>> -> memref<1x80x128xi32, #tpu.memory_space<hbm>>
      %dma_wait3A_40 = tpu.memref_squeeze %dma_wait3A_39 : memref<1x80x128xi32, #tpu.memory_space<hbm>> -> memref<80x128xi32, #tpu.memory_space<hbm>>
      tpu.wait_dma2 semaphore(%run_scoped3A : memref<!tpu.dma_semaphore, #tpu.memory_space<semaphore_mem>>) src(%dma_wait3A_40 : memref<80x128xi32, #tpu.memory_space<hbm>>) dst(%arg7 : memref<80x128xi32, #tpu.memory_space<vmem>>)
      tpu.yield
    }) : () -> ()
    "tpu.region"() ({
      %run_scoped3A = tpu.sem_alloc : memref<!tpu.dma_semaphore, #tpu.memory_space<semaphore_mem>>
      %dma_start3A_26 = arith.constant 80 : i32
      %dma_start3A_27 = arith.constant 0 : i32
      %dma_start3A_28 = tpu.memref_slice %arg4[%arg1, %dma_start3A_26, %dma_start3A_27] : memref<16x160x128xi32, #tpu.memory_space<hbm>> -> memref<1x80x128xi32, #tpu.memory_space<hbm>>
      %dma_start3A_29 = tpu.memref_squeeze %dma_start3A_28 : memref<1x80x128xi32, #tpu.memory_space<hbm>> -> memref<80x128xi32, #tpu.memory_space<hbm>>
      %dma_start3A_30 = arith.constant 80 : i32
      %dma_start3A_31 = arith.constant 0 : i32
      %dma_start3A_32 = tpu.memref_slice %arg4[%arg1, %dma_start3A_30, %dma_start3A_31] : memref<16x160x128xi32, #tpu.memory_space<hbm>> -> memref<1x80x128xi32, #tpu.memory_space<hbm>>
      %dma_start3A_33 = tpu.memref_squeeze %dma_start3A_32 : memref<1x80x128xi32, #tpu.memory_space<hbm>> -> memref<80x128xi32, #tpu.memory_space<hbm>>
      tpu.enqueue_dma source(%dma_start3A_33 : memref<80x128xi32, #tpu.memory_space<hbm>>) target(%arg8 : memref<80x128xi32, #tpu.memory_space<vmem>>) target_semaphore(%run_scoped3A : memref<!tpu.dma_semaphore, #tpu.memory_space<semaphore_mem>>)
      %dma_wait3A = arith.constant 80 : i32
      %dma_wait3A_34 = arith.constant 0 : i32
      %dma_wait3A_35 = tpu.memref_slice %arg4[%arg1, %dma_wait3A, %dma_wait3A_34] : memref<16x160x128xi32, #tpu.memory_space<hbm>> -> memref<1x80x128xi32, #tpu.memory_space<hbm>>
      %dma_wait3A_36 = tpu.memref_squeeze %dma_wait3A_35 : memref<1x80x128xi32, #tpu.memory_space<hbm>> -> memref<80x128xi32, #tpu.memory_space<hbm>>
      %dma_wait3A_37 = arith.constant 80 : i32
      %dma_wait3A_38 = arith.constant 0 : i32
      %dma_wait3A_39 = tpu.memref_slice %arg4[%arg1, %dma_wait3A_37, %dma_wait3A_38] : memref<16x160x128xi32, #tpu.memory_space<hbm>> -> memref<1x80x128xi32, #tpu.memory_space<hbm>>
      %dma_wait3A_40 = tpu.memref_squeeze %dma_wait3A_39 : memref<1x80x128xi32, #tpu.memory_space<hbm>> -> memref<80x128xi32, #tpu.memory_space<hbm>>
      tpu.wait_dma2 semaphore(%run_scoped3A : memref<!tpu.dma_semaphore, #tpu.memory_space<semaphore_mem>>) src(%dma_wait3A_40 : memref<80x128xi32, #tpu.memory_space<hbm>>) dst(%arg8 : memref<80x128xi32, #tpu.memory_space<vmem>>)
      tpu.yield
    }) : () -> ()
    %dma_start3A_12 = arith.constant 0 : i32
    %dma_start3A_13 = arith.constant 0 : i32
    %dma_start3A_14 = tpu.memref_slice %arg7[%dma_start3A_12, %dma_start3A_13] : memref<80x128xi32, #tpu.memory_space<vmem>> -> memref<1x128xi32, #tpu.memory_space<vmem>>
    %dma_start3A_15 = tpu.memref_squeeze %dma_start3A_14 : memref<1x128xi32, #tpu.memory_space<vmem>> -> memref<128xi32, #tpu.memory_space<vmem>>
    %dma_start3A_16 = arith.constant 0 : i32
    %dma_start3A_17 = arith.constant 0 : i32
    %dma_start3A_18 = tpu.memref_slice %arg11[%dma_start3A_16, %dma_start3A_17] : memref<10240x32xf32, #tpu.memory_space<vmem_shared>> -> memref<10240x32xf32, #tpu.memory_space<vmem_shared>>
    tpu.enqueue_indirect_dma source(%dma_start3A_18 : memref<10240x32xf32, #tpu.memory_space<vmem_shared>>) target(%arg9 : memref<128x32xf32, #tpu.memory_space<vmem>>) offsets(%dma_start3A_15 : memref<128xi32, #tpu.memory_space<vmem>>) semaphore(%arg13 : memref<!tpu.dma_semaphore, #tpu.memory_space<semaphore_mem>>)
    %scan3A_19 = arith.constant 0 : i32
    %scan3A_20 = arith.constant 0 : i32
    %scan3A_21 = arith.constant 40 : i32
    %scan3A_22 = arith.addi %scan3A_20, %scan3A_21 : i32
    %scan3A_23 = arith.constant 1 : i32
    scf.for %scan3A_26 = %scan3A_20 to %scan3A_22 step %scan3A_23  : i32 {
      %mul3A_27 = arith.constant 2 : i32
      %mul3A_28 = arith.muli %scan3A_26, %mul3A_27 : i32
      %add3A = arith.constant 1 : i32
      %add3A_29 = arith.addi %mul3A_28, %add3A : i32
      %dma_start3A_30 = arith.constant 0 : i32
      %dma_start3A_31 = tpu.memref_slice %arg7[%add3A_29, %dma_start3A_30] : memref<80x128xi32, #tpu.memory_space<vmem>> -> memref<1x128xi32, #tpu.memory_space<vmem>>
      %dma_start3A_32 = tpu.memref_squeeze %dma_start3A_31 : memref<1x128xi32, #tpu.memory_space<vmem>> -> memref<128xi32, #tpu.memory_space<vmem>>
      %dma_start3A_33 = arith.constant 0 : i32
      %dma_start3A_34 = arith.constant 0 : i32
      %dma_start3A_35 = tpu.memref_slice %arg11[%dma_start3A_33, %dma_start3A_34] : memref<10240x32xf32, #tpu.memory_space<vmem_shared>> -> memref<10240x32xf32, #tpu.memory_space<vmem_shared>>
      tpu.enqueue_indirect_dma source(%dma_start3A_35 : memref<10240x32xf32, #tpu.memory_space<vmem_shared>>) target(%arg10 : memref<128x32xf32, #tpu.memory_space<vmem>>) offsets(%dma_start3A_32 : memref<128xi32, #tpu.memory_space<vmem>>) semaphore(%arg14 : memref<!tpu.dma_semaphore, #tpu.memory_space<semaphore_mem>>)
      %dma_wait3A = arith.constant 0 : i32
      %dma_wait3A_36 = tpu.memref_slice %arg7[%mul3A_28, %dma_wait3A] : memref<80x128xi32, #tpu.memory_space<vmem>> -> memref<1x128xi32, #tpu.memory_space<vmem>>
      %dma_wait3A_37 = tpu.memref_squeeze %dma_wait3A_36 : memref<1x128xi32, #tpu.memory_space<vmem>> -> memref<128xi32, #tpu.memory_space<vmem>>
      %dma_wait3A_38 = arith.constant 0 : i32
      %dma_wait3A_39 = arith.constant 0 : i32
      %dma_wait3A_40 = tpu.memref_slice %arg11[%dma_wait3A_38, %dma_wait3A_39] : memref<10240x32xf32, #tpu.memory_space<vmem_shared>> -> memref<10240x32xf32, #tpu.memory_space<vmem_shared>>
      tpu.wait_indirect_dma semaphore(%arg13 : memref<!tpu.dma_semaphore, #tpu.memory_space<semaphore_mem>>) src(%dma_wait3A_40 : memref<10240x32xf32, #tpu.memory_space<vmem_shared>>) dst(%arg9 : memref<128x32xf32, #tpu.memory_space<vmem>>)
      "tpu.region"() ({
        %run_scoped3A = tpu.sem_alloc : memref<!tpu.dma_semaphore, #tpu.memory_space<semaphore_mem>>
        %dma_start3A_53 = arith.constant 0 : i32
        %dma_start3A_54 = tpu.memref_slice %arg8[%mul3A_28, %dma_start3A_53] : memref<80x128xi32, #tpu.memory_space<vmem>> -> memref<1x128xi32, #tpu.memory_space<vmem>>
        %dma_start3A_55 = tpu.memref_squeeze %dma_start3A_54 : memref<1x128xi32, #tpu.memory_space<vmem>> -> memref<128xi32, #tpu.memory_space<vmem>>
        %dma_start3A_56 = arith.constant 0 : i32
        %dma_start3A_57 = arith.constant 0 : i32
        %dma_start3A_58 = tpu.memref_slice %arg12[%dma_start3A_56, %dma_start3A_57] : memref<10240x32xf32, #tpu.memory_space<vmem_shared>> -> memref<10240x32xf32, #tpu.memory_space<vmem_shared>>
        tpu.enqueue_indirect_dma source(%arg9 : memref<128x32xf32, #tpu.memory_space<vmem>>) target(%dma_start3A_58 : memref<10240x32xf32, #tpu.memory_space<vmem_shared>>) offsets(%dma_start3A_55 : memref<128xi32, #tpu.memory_space<vmem>>) semaphore(%run_scoped3A : memref<!tpu.dma_semaphore, #tpu.memory_space<semaphore_mem>>) {add = true}
        %dma_wait3A_59 = arith.constant 0 : i32
        %dma_wait3A_60 = tpu.memref_slice %arg8[%mul3A_28, %dma_wait3A_59] : memref<80x128xi32, #tpu.memory_space<vmem>> -> memref<1x128xi32, #tpu.memory_space<vmem>>
        %dma_wait3A_61 = tpu.memref_squeeze %dma_wait3A_60 : memref<1x128xi32, #tpu.memory_space<vmem>> -> memref<128xi32, #tpu.memory_space<vmem>>
        %dma_wait3A_62 = arith.constant 0 : i32
        %dma_wait3A_63 = arith.constant 0 : i32
        %dma_wait3A_64 = tpu.memref_slice %arg12[%dma_wait3A_62, %dma_wait3A_63] : memref<10240x32xf32, #tpu.memory_space<vmem_shared>> -> memref<10240x32xf32, #tpu.memory_space<vmem_shared>>
        tpu.wait_indirect_dma semaphore(%run_scoped3A : memref<!tpu.dma_semaphore, #tpu.memory_space<semaphore_mem>>) src(%arg9 : memref<128x32xf32, #tpu.memory_space<vmem>>) dst(%dma_wait3A_64 : memref<10240x32xf32, #tpu.memory_space<vmem_shared>>)
        tpu.yield
      }) : () -> ()
      %lt3A = arith.constant 39 : i32
      %lt3A_41 = arith.cmpi slt, %scan3A_26, %lt3A : i32
      %convert_element_type3A = arith.extui %lt3A_41 : i1 to i32
      %cond3A = arith.constant 0 : i32
      %cond3A_42 = arith.cmpi ne, %convert_element_type3A, %cond3A : i32
      scf.if %cond3A_42 {
        %add3A_53 = arith.constant 2 : i32
        %add3A_54 = arith.addi %mul3A_28, %add3A_53 : i32
        %dma_start3A_55 = arith.constant 0 : i32
        %dma_start3A_56 = tpu.memref_slice %arg7[%add3A_54, %dma_start3A_55] : memref<80x128xi32, #tpu.memory_space<vmem>> -> memref<1x128xi32, #tpu.memory_space<vmem>>
        %dma_start3A_57 = tpu.memref_squeeze %dma_start3A_56 : memref<1x128xi32, #tpu.memory_space<vmem>> -> memref<128xi32, #tpu.memory_space<vmem>>
        %dma_start3A_58 = arith.constant 0 : i32
        %dma_start3A_59 = arith.constant 0 : i32
        %dma_start3A_60 = tpu.memref_slice %arg11[%dma_start3A_58, %dma_start3A_59] : memref<10240x32xf32, #tpu.memory_space<vmem_shared>> -> memref<10240x32xf32, #tpu.memory_space<vmem_shared>>
        tpu.enqueue_indirect_dma source(%dma_start3A_60 : memref<10240x32xf32, #tpu.memory_space<vmem_shared>>) target(%arg9 : memref<128x32xf32, #tpu.memory_space<vmem>>) offsets(%dma_start3A_57 : memref<128xi32, #tpu.memory_space<vmem>>) semaphore(%arg13 : memref<!tpu.dma_semaphore, #tpu.memory_space<semaphore_mem>>)
      } else {
      }
      %add3A_43 = arith.constant 1 : i32
      %add3A_44 = arith.addi %mul3A_28, %add3A_43 : i32
      %dma_wait3A_45 = arith.constant 0 : i32
      %dma_wait3A_46 = tpu.memref_slice %arg7[%add3A_44, %dma_wait3A_45] : memref<80x128xi32, #tpu.memory_space<vmem>> -> memref<1x128xi32, #tpu.memory_space<vmem>>
      %dma_wait3A_47 = tpu.memref_squeeze %dma_wait3A_46 : memref<1x128xi32, #tpu.memory_space<vmem>> -> memref<128xi32, #tpu.memory_space<vmem>>
      %dma_wait3A_48 = arith.constant 0 : i32
      %dma_wait3A_49 = arith.constant 0 : i32
      %dma_wait3A_50 = tpu.memref_slice %arg11[%dma_wait3A_48, %dma_wait3A_49] : memref<10240x32xf32, #tpu.memory_space<vmem_shared>> -> memref<10240x32xf32, #tpu.memory_space<vmem_shared>>
      tpu.wait_indirect_dma semaphore(%arg14 : memref<!tpu.dma_semaphore, #tpu.memory_space<semaphore_mem>>) src(%dma_wait3A_50 : memref<10240x32xf32, #tpu.memory_space<vmem_shared>>) dst(%arg10 : memref<128x32xf32, #tpu.memory_space<vmem>>)
      %add3A_51 = arith.constant 1 : i32
      %add3A_52 = arith.addi %mul3A_28, %add3A_51 : i32
      "tpu.region"() ({
        %run_scoped3A = tpu.sem_alloc : memref<!tpu.dma_semaphore, #tpu.memory_space<semaphore_mem>>
        %dma_start3A_53 = arith.constant 0 : i32
        %dma_start3A_54 = tpu.memref_slice %arg8[%add3A_52, %dma_start3A_53] : memref<80x128xi32, #tpu.memory_space<vmem>> -> memref<1x128xi32, #tpu.memory_space<vmem>>
        %dma_start3A_55 = tpu.memref_squeeze %dma_start3A_54 : memref<1x128xi32, #tpu.memory_space<vmem>> -> memref<128xi32, #tpu.memory_space<vmem>>
        %dma_start3A_56 = arith.constant 0 : i32
        %dma_start3A_57 = arith.constant 0 : i32
        %dma_start3A_58 = tpu.memref_slice %arg12[%dma_start3A_56, %dma_start3A_57] : memref<10240x32xf32, #tpu.memory_space<vmem_shared>> -> memref<10240x32xf32, #tpu.memory_space<vmem_shared>>
        tpu.enqueue_indirect_dma source(%arg10 : memref<128x32xf32, #tpu.memory_space<vmem>>) target(%dma_start3A_58 : memref<10240x32xf32, #tpu.memory_space<vmem_shared>>) offsets(%dma_start3A_55 : memref<128xi32, #tpu.memory_space<vmem>>) semaphore(%run_scoped3A : memref<!tpu.dma_semaphore, #tpu.memory_space<semaphore_mem>>) {add = true}
        %dma_wait3A_59 = arith.constant 0 : i32
        %dma_wait3A_60 = tpu.memref_slice %arg8[%add3A_52, %dma_wait3A_59] : memref<80x128xi32, #tpu.memory_space<vmem>> -> memref<1x128xi32, #tpu.memory_space<vmem>>
        %dma_wait3A_61 = tpu.memref_squeeze %dma_wait3A_60 : memref<1x128xi32, #tpu.memory_space<vmem>> -> memref<128xi32, #tpu.memory_space<vmem>>
        %dma_wait3A_62 = arith.constant 0 : i32
        %dma_wait3A_63 = arith.constant 0 : i32
        %dma_wait3A_64 = tpu.memref_slice %arg12[%dma_wait3A_62, %dma_wait3A_63] : memref<10240x32xf32, #tpu.memory_space<vmem_shared>> -> memref<10240x32xf32, #tpu.memory_space<vmem_shared>>
        tpu.wait_indirect_dma semaphore(%run_scoped3A : memref<!tpu.dma_semaphore, #tpu.memory_space<semaphore_mem>>) src(%arg10 : memref<128x32xf32, #tpu.memory_space<vmem>>) dst(%dma_wait3A_64 : memref<10240x32xf32, #tpu.memory_space<vmem_shared>>)
        tpu.yield
      }) : () -> ()
    }
    %scan3A_24 = arith.constant 40 : i32
    %barrier3A_25 = arith.constant 0 : index
    tpu.barrier barrier_id(%barrier3A_25)
    "tpu.region"() ({
      %run_scoped3A = tpu.sem_alloc : memref<!tpu.dma_semaphore, #tpu.memory_space<semaphore_mem>>
      %dma_start3A_26 = arith.constant 0 : i32
      %dma_start3A_27 = tpu.memref_slice %arg6[%arg0, %mul3A_0, %dma_start3A_26] : memref<2x10240x32xf32, #tpu.memory_space<hbm>> -> memref<1x640x32xf32, #tpu.memory_space<hbm>>
      %dma_start3A_28 = tpu.memref_squeeze %dma_start3A_27 : memref<1x640x32xf32, #tpu.memory_space<hbm>> -> memref<640x32xf32, #tpu.memory_space<hbm>>
      %dma_start3A_29 = arith.constant 0 : i32
      %dma_start3A_30 = tpu.memref_slice %arg12[%mul3A_0, %dma_start3A_29] : memref<10240x32xf32, #tpu.memory_space<vmem_shared>> -> memref<640x32xf32, #tpu.memory_space<vmem_shared>>
      tpu.enqueue_dma source(%dma_start3A_30 : memref<640x32xf32, #tpu.memory_space<vmem_shared>>) target(%dma_start3A_28 : memref<640x32xf32, #tpu.memory_space<hbm>>) target_semaphore(%run_scoped3A : memref<!tpu.dma_semaphore, #tpu.memory_space<semaphore_mem>>)
      %dma_wait3A = arith.constant 0 : i32
      %dma_wait3A_31 = tpu.memref_slice %arg6[%arg0, %mul3A_0, %dma_wait3A] : memref<2x10240x32xf32, #tpu.memory_space<hbm>> -> memref<1x640x32xf32, #tpu.memory_space<hbm>>
      %dma_wait3A_32 = tpu.memref_squeeze %dma_wait3A_31 : memref<1x640x32xf32, #tpu.memory_space<hbm>> -> memref<640x32xf32, #tpu.memory_space<hbm>>
      %dma_wait3A_33 = arith.constant 0 : i32
      %dma_wait3A_34 = tpu.memref_slice %arg12[%mul3A_0, %dma_wait3A_33] : memref<10240x32xf32, #tpu.memory_space<vmem_shared>> -> memref<640x32xf32, #tpu.memory_space<vmem_shared>>
      tpu.wait_dma2 semaphore(%run_scoped3A : memref<!tpu.dma_semaphore, #tpu.memory_space<semaphore_mem>>) src(%dma_wait3A_34 : memref<640x32xf32, #tpu.memory_space<vmem_shared>>) dst(%dma_wait3A_32 : memref<640x32xf32, #tpu.memory_space<hbm>>)
      tpu.yield
    }) : () -> ()
    return
  }
}

#map = affine_map<(d0, d1) -> (0, 0, 0)>
#map1 = affine_map<(d0, d1) -> (0, 0)>
module attributes {stable_mosaic.version = 14 : i64} {
  func.func @_gather_scatter_body(%arg0: i32, %arg1: i32, %arg2: memref<2x10240x64xf32, #tpu.memory_space<hbm>>, %arg3: memref<16x160x128xi32, #tpu.memory_space<hbm>>, %arg4: memref<16x160x128xi32, #tpu.memory_space<hbm>>, %arg5: memref<10240x64xf32, #tpu.memory_space<hbm>>, %arg6: memref<2x10240x64xf32, #tpu.memory_space<hbm>>, %arg7: memref<80x128xi32, #tpu.memory_space<vmem>>, %arg8: memref<80x128xi32, #tpu.memory_space<vmem>>, %arg9: memref<128x64xf32, #tpu.memory_space<vmem>>, %arg10: memref<128x64xf32, #tpu.memory_space<vmem>>, %arg11: memref<10240x64xf32, #tpu.memory_space<vmem_shared>>, %arg12: memref<10240x64xf32, #tpu.memory_space<vmem_shared>>, %arg13: memref<!tpu.dma_semaphore, #tpu.memory_space<semaphore_mem>>, %arg14: memref<!tpu.dma_semaphore, #tpu.memory_space<semaphore_mem>>) attributes {dimension_semantics = [#tpu.dimension_semantics<core_parallel>, #tpu.dimension_semantics<subcore_parallel>], iteration_bounds = array<i64: 2, 16>, scalar_prefetch = 0 : i64, scratch_operands = 8 : i64, tpu.core_type = #tpu.core_type<sc_vector_subcore>, window_params = [{transform_indices = #map}, {transform_indices = #map}, {transform_indices = #map}, {transform_indices = #map1}, {transform_indices = #map}]} {
    %mul3A = arith.constant 640 : i32
    %mul3A_0 = arith.muli %arg1, %mul3A : i32
    "tpu.region"() ({
      %run_scoped3A = tpu.sem_alloc : memref<!tpu.dma_semaphore, #tpu.memory_space<semaphore_mem>>
      %dma_start3A_26 = arith.constant 0 : i32
      %dma_start3A_27 = tpu.memref_slice %arg11[%mul3A_0, %dma_start3A_26] : memref<10240x64xf32, #tpu.memory_space<vmem_shared>> -> memref<640x64xf32, #tpu.memory_space<vmem_shared>>
      %dma_start3A_28 = arith.constant 0 : i32
      %dma_start3A_29 = tpu.memref_slice %arg2[%arg0, %mul3A_0, %dma_start3A_28] : memref<2x10240x64xf32, #tpu.memory_space<hbm>> -> memref<1x640x64xf32, #tpu.memory_space<hbm>>
      %dma_start3A_30 = tpu.memref_squeeze %dma_start3A_29 : memref<1x640x64xf32, #tpu.memory_space<hbm>> -> memref<640x64xf32, #tpu.memory_space<hbm>>
      tpu.enqueue_dma source(%dma_start3A_30 : memref<640x64xf32, #tpu.memory_space<hbm>>) target(%dma_start3A_27 : memref<640x64xf32, #tpu.memory_space<vmem_shared>>) target_semaphore(%run_scoped3A : memref<!tpu.dma_semaphore, #tpu.memory_space<semaphore_mem>>)
      %dma_wait3A = arith.constant 0 : i32
      %dma_wait3A_31 = tpu.memref_slice %arg11[%mul3A_0, %dma_wait3A] : memref<10240x64xf32, #tpu.memory_space<vmem_shared>> -> memref<640x64xf32, #tpu.memory_space<vmem_shared>>
      %dma_wait3A_32 = arith.constant 0 : i32
      %dma_wait3A_33 = tpu.memref_slice %arg2[%arg0, %mul3A_0, %dma_wait3A_32] : memref<2x10240x64xf32, #tpu.memory_space<hbm>> -> memref<1x640x64xf32, #tpu.memory_space<hbm>>
      %dma_wait3A_34 = tpu.memref_squeeze %dma_wait3A_33 : memref<1x640x64xf32, #tpu.memory_space<hbm>> -> memref<640x64xf32, #tpu.memory_space<hbm>>
      tpu.wait_dma2 semaphore(%run_scoped3A : memref<!tpu.dma_semaphore, #tpu.memory_space<semaphore_mem>>) src(%dma_wait3A_34 : memref<640x64xf32, #tpu.memory_space<hbm>>) dst(%dma_wait3A_31 : memref<640x64xf32, #tpu.memory_space<vmem_shared>>)
      tpu.yield
    }) : () -> ()
    "tpu.region"() ({
      %run_scoped3A = tpu.sem_alloc : memref<!tpu.dma_semaphore, #tpu.memory_space<semaphore_mem>>
      %dma_start3A_26 = arith.constant 0 : i32
      %dma_start3A_27 = tpu.memref_slice %arg12[%mul3A_0, %dma_start3A_26] : memref<10240x64xf32, #tpu.memory_space<vmem_shared>> -> memref<640x64xf32, #tpu.memory_space<vmem_shared>>
      %dma_start3A_28 = arith.constant 0 : i32
      %dma_start3A_29 = tpu.memref_slice %arg5[%mul3A_0, %dma_start3A_28] : memref<10240x64xf32, #tpu.memory_space<hbm>> -> memref<640x64xf32, #tpu.memory_space<hbm>>
      tpu.enqueue_dma source(%dma_start3A_29 : memref<640x64xf32, #tpu.memory_space<hbm>>) target(%dma_start3A_27 : memref<640x64xf32, #tpu.memory_space<vmem_shared>>) target_semaphore(%run_scoped3A : memref<!tpu.dma_semaphore, #tpu.memory_space<semaphore_mem>>)
      %dma_wait3A = arith.constant 0 : i32
      %dma_wait3A_30 = tpu.memref_slice %arg12[%mul3A_0, %dma_wait3A] : memref<10240x64xf32, #tpu.memory_space<vmem_shared>> -> memref<640x64xf32, #tpu.memory_space<vmem_shared>>
      %dma_wait3A_31 = arith.constant 0 : i32
      %dma_wait3A_32 = tpu.memref_slice %arg5[%mul3A_0, %dma_wait3A_31] : memref<10240x64xf32, #tpu.memory_space<hbm>> -> memref<640x64xf32, #tpu.memory_space<hbm>>
      tpu.wait_dma2 semaphore(%run_scoped3A : memref<!tpu.dma_semaphore, #tpu.memory_space<semaphore_mem>>) src(%dma_wait3A_32 : memref<640x64xf32, #tpu.memory_space<hbm>>) dst(%dma_wait3A_30 : memref<640x64xf32, #tpu.memory_space<vmem_shared>>)
      tpu.yield
    }) : () -> ()
    %barrier3A = arith.constant 0 : index
    tpu.barrier barrier_id(%barrier3A)
    "tpu.region"() ({
      %run_scoped3A = tpu.sem_alloc : memref<!tpu.dma_semaphore, #tpu.memory_space<semaphore_mem>>
      %dma_start3A_26 = arith.constant 0 : i32
      %dma_start3A_27 = arith.constant 0 : i32
      %dma_start3A_28 = tpu.memref_slice %arg3[%arg1, %dma_start3A_26, %dma_start3A_27] : memref<16x160x128xi32, #tpu.memory_space<hbm>> -> memref<1x80x128xi32, #tpu.memory_space<hbm>>
      %dma_start3A_29 = tpu.memref_squeeze %dma_start3A_28 : memref<1x80x128xi32, #tpu.memory_space<hbm>> -> memref<80x128xi32, #tpu.memory_space<hbm>>
      %dma_start3A_30 = arith.constant 0 : i32
      %dma_start3A_31 = arith.constant 0 : i32
      %dma_start3A_32 = tpu.memref_slice %arg3[%arg1, %dma_start3A_30, %dma_start3A_31] : memref<16x160x128xi32, #tpu.memory_space<hbm>> -> memref<1x80x128xi32, #tpu.memory_space<hbm>>
      %dma_start3A_33 = tpu.memref_squeeze %dma_start3A_32 : memref<1x80x128xi32, #tpu.memory_space<hbm>> -> memref<80x128xi32, #tpu.memory_space<hbm>>
      tpu.enqueue_dma source(%dma_start3A_33 : memref<80x128xi32, #tpu.memory_space<hbm>>) target(%arg7 : memref<80x128xi32, #tpu.memory_space<vmem>>) target_semaphore(%run_scoped3A : memref<!tpu.dma_semaphore, #tpu.memory_space<semaphore_mem>>)
      %dma_wait3A = arith.constant 0 : i32
      %dma_wait3A_34 = arith.constant 0 : i32
      %dma_wait3A_35 = tpu.memref_slice %arg3[%arg1, %dma_wait3A, %dma_wait3A_34] : memref<16x160x128xi32, #tpu.memory_space<hbm>> -> memref<1x80x128xi32, #tpu.memory_space<hbm>>
      %dma_wait3A_36 = tpu.memref_squeeze %dma_wait3A_35 : memref<1x80x128xi32, #tpu.memory_space<hbm>> -> memref<80x128xi32, #tpu.memory_space<hbm>>
      %dma_wait3A_37 = arith.constant 0 : i32
      %dma_wait3A_38 = arith.constant 0 : i32
      %dma_wait3A_39 = tpu.memref_slice %arg3[%arg1, %dma_wait3A_37, %dma_wait3A_38] : memref<16x160x128xi32, #tpu.memory_space<hbm>> -> memref<1x80x128xi32, #tpu.memory_space<hbm>>
      %dma_wait3A_40 = tpu.memref_squeeze %dma_wait3A_39 : memref<1x80x128xi32, #tpu.memory_space<hbm>> -> memref<80x128xi32, #tpu.memory_space<hbm>>
      tpu.wait_dma2 semaphore(%run_scoped3A : memref<!tpu.dma_semaphore, #tpu.memory_space<semaphore_mem>>) src(%dma_wait3A_40 : memref<80x128xi32, #tpu.memory_space<hbm>>) dst(%arg7 : memref<80x128xi32, #tpu.memory_space<vmem>>)
      tpu.yield
    }) : () -> ()
    "tpu.region"() ({
      %run_scoped3A = tpu.sem_alloc : memref<!tpu.dma_semaphore, #tpu.memory_space<semaphore_mem>>
      %dma_start3A_26 = arith.constant 0 : i32
      %dma_start3A_27 = arith.constant 0 : i32
      %dma_start3A_28 = tpu.memref_slice %arg4[%arg1, %dma_start3A_26, %dma_start3A_27] : memref<16x160x128xi32, #tpu.memory_space<hbm>> -> memref<1x80x128xi32, #tpu.memory_space<hbm>>
      %dma_start3A_29 = tpu.memref_squeeze %dma_start3A_28 : memref<1x80x128xi32, #tpu.memory_space<hbm>> -> memref<80x128xi32, #tpu.memory_space<hbm>>
      %dma_start3A_30 = arith.constant 0 : i32
      %dma_start3A_31 = arith.constant 0 : i32
      %dma_start3A_32 = tpu.memref_slice %arg4[%arg1, %dma_start3A_30, %dma_start3A_31] : memref<16x160x128xi32, #tpu.memory_space<hbm>> -> memref<1x80x128xi32, #tpu.memory_space<hbm>>
      %dma_start3A_33 = tpu.memref_squeeze %dma_start3A_32 : memref<1x80x128xi32, #tpu.memory_space<hbm>> -> memref<80x128xi32, #tpu.memory_space<hbm>>
      tpu.enqueue_dma source(%dma_start3A_33 : memref<80x128xi32, #tpu.memory_space<hbm>>) target(%arg8 : memref<80x128xi32, #tpu.memory_space<vmem>>) target_semaphore(%run_scoped3A : memref<!tpu.dma_semaphore, #tpu.memory_space<semaphore_mem>>)
      %dma_wait3A = arith.constant 0 : i32
      %dma_wait3A_34 = arith.constant 0 : i32
      %dma_wait3A_35 = tpu.memref_slice %arg4[%arg1, %dma_wait3A, %dma_wait3A_34] : memref<16x160x128xi32, #tpu.memory_space<hbm>> -> memref<1x80x128xi32, #tpu.memory_space<hbm>>
      %dma_wait3A_36 = tpu.memref_squeeze %dma_wait3A_35 : memref<1x80x128xi32, #tpu.memory_space<hbm>> -> memref<80x128xi32, #tpu.memory_space<hbm>>
      %dma_wait3A_37 = arith.constant 0 : i32
      %dma_wait3A_38 = arith.constant 0 : i32
      %dma_wait3A_39 = tpu.memref_slice %arg4[%arg1, %dma_wait3A_37, %dma_wait3A_38] : memref<16x160x128xi32, #tpu.memory_space<hbm>> -> memref<1x80x128xi32, #tpu.memory_space<hbm>>
      %dma_wait3A_40 = tpu.memref_squeeze %dma_wait3A_39 : memref<1x80x128xi32, #tpu.memory_space<hbm>> -> memref<80x128xi32, #tpu.memory_space<hbm>>
      tpu.wait_dma2 semaphore(%run_scoped3A : memref<!tpu.dma_semaphore, #tpu.memory_space<semaphore_mem>>) src(%dma_wait3A_40 : memref<80x128xi32, #tpu.memory_space<hbm>>) dst(%arg8 : memref<80x128xi32, #tpu.memory_space<vmem>>)
      tpu.yield
    }) : () -> ()
    %dma_start3A = arith.constant 0 : i32
    %dma_start3A_1 = arith.constant 0 : i32
    %dma_start3A_2 = tpu.memref_slice %arg7[%dma_start3A, %dma_start3A_1] : memref<80x128xi32, #tpu.memory_space<vmem>> -> memref<1x128xi32, #tpu.memory_space<vmem>>
    %dma_start3A_3 = tpu.memref_squeeze %dma_start3A_2 : memref<1x128xi32, #tpu.memory_space<vmem>> -> memref<128xi32, #tpu.memory_space<vmem>>
    %dma_start3A_4 = arith.constant 0 : i32
    %dma_start3A_5 = arith.constant 0 : i32
    %dma_start3A_6 = tpu.memref_slice %arg11[%dma_start3A_4, %dma_start3A_5] : memref<10240x64xf32, #tpu.memory_space<vmem_shared>> -> memref<10240x64xf32, #tpu.memory_space<vmem_shared>>
    tpu.enqueue_indirect_dma source(%dma_start3A_6 : memref<10240x64xf32, #tpu.memory_space<vmem_shared>>) target(%arg9 : memref<128x64xf32, #tpu.memory_space<vmem>>) offsets(%dma_start3A_3 : memref<128xi32, #tpu.memory_space<vmem>>) semaphore(%arg13 : memref<!tpu.dma_semaphore, #tpu.memory_space<semaphore_mem>>)
    %scan3A = arith.constant 0 : i32
    %scan3A_7 = arith.constant 0 : i32
    %scan3A_8 = arith.constant 40 : i32
    %scan3A_9 = arith.addi %scan3A_7, %scan3A_8 : i32
    %scan3A_10 = arith.constant 1 : i32
    scf.for %scan3A_26 = %scan3A_7 to %scan3A_9 step %scan3A_10  : i32 {
      %mul3A_27 = arith.constant 2 : i32
      %mul3A_28 = arith.muli %scan3A_26, %mul3A_27 : i32
      %add3A = arith.constant 1 : i32
      %add3A_29 = arith.addi %mul3A_28, %add3A : i32
      %dma_start3A_30 = arith.constant 0 : i32
      %dma_start3A_31 = tpu.memref_slice %arg7[%add3A_29, %dma_start3A_30] : memref<80x128xi32, #tpu.memory_space<vmem>> -> memref<1x128xi32, #tpu.memory_space<vmem>>
      %dma_start3A_32 = tpu.memref_squeeze %dma_start3A_31 : memref<1x128xi32, #tpu.memory_space<vmem>> -> memref<128xi32, #tpu.memory_space<vmem>>
      %dma_start3A_33 = arith.constant 0 : i32
      %dma_start3A_34 = arith.constant 0 : i32
      %dma_start3A_35 = tpu.memref_slice %arg11[%dma_start3A_33, %dma_start3A_34] : memref<10240x64xf32, #tpu.memory_space<vmem_shared>> -> memref<10240x64xf32, #tpu.memory_space<vmem_shared>>
      tpu.enqueue_indirect_dma source(%dma_start3A_35 : memref<10240x64xf32, #tpu.memory_space<vmem_shared>>) target(%arg10 : memref<128x64xf32, #tpu.memory_space<vmem>>) offsets(%dma_start3A_32 : memref<128xi32, #tpu.memory_space<vmem>>) semaphore(%arg14 : memref<!tpu.dma_semaphore, #tpu.memory_space<semaphore_mem>>)
      %dma_wait3A = arith.constant 0 : i32
      %dma_wait3A_36 = tpu.memref_slice %arg7[%mul3A_28, %dma_wait3A] : memref<80x128xi32, #tpu.memory_space<vmem>> -> memref<1x128xi32, #tpu.memory_space<vmem>>
      %dma_wait3A_37 = tpu.memref_squeeze %dma_wait3A_36 : memref<1x128xi32, #tpu.memory_space<vmem>> -> memref<128xi32, #tpu.memory_space<vmem>>
      %dma_wait3A_38 = arith.constant 0 : i32
      %dma_wait3A_39 = arith.constant 0 : i32
      %dma_wait3A_40 = tpu.memref_slice %arg11[%dma_wait3A_38, %dma_wait3A_39] : memref<10240x64xf32, #tpu.memory_space<vmem_shared>> -> memref<10240x64xf32, #tpu.memory_space<vmem_shared>>
      tpu.wait_indirect_dma semaphore(%arg13 : memref<!tpu.dma_semaphore, #tpu.memory_space<semaphore_mem>>) src(%dma_wait3A_40 : memref<10240x64xf32, #tpu.memory_space<vmem_shared>>) dst(%arg9 : memref<128x64xf32, #tpu.memory_space<vmem>>)
      "tpu.region"() ({
        %run_scoped3A = tpu.sem_alloc : memref<!tpu.dma_semaphore, #tpu.memory_space<semaphore_mem>>
        %dma_start3A_53 = arith.constant 0 : i32
        %dma_start3A_54 = tpu.memref_slice %arg8[%mul3A_28, %dma_start3A_53] : memref<80x128xi32, #tpu.memory_space<vmem>> -> memref<1x128xi32, #tpu.memory_space<vmem>>
        %dma_start3A_55 = tpu.memref_squeeze %dma_start3A_54 : memref<1x128xi32, #tpu.memory_space<vmem>> -> memref<128xi32, #tpu.memory_space<vmem>>
        %dma_start3A_56 = arith.constant 0 : i32
        %dma_start3A_57 = arith.constant 0 : i32
        %dma_start3A_58 = tpu.memref_slice %arg12[%dma_start3A_56, %dma_start3A_57] : memref<10240x64xf32, #tpu.memory_space<vmem_shared>> -> memref<10240x64xf32, #tpu.memory_space<vmem_shared>>
        tpu.enqueue_indirect_dma source(%arg9 : memref<128x64xf32, #tpu.memory_space<vmem>>) target(%dma_start3A_58 : memref<10240x64xf32, #tpu.memory_space<vmem_shared>>) offsets(%dma_start3A_55 : memref<128xi32, #tpu.memory_space<vmem>>) semaphore(%run_scoped3A : memref<!tpu.dma_semaphore, #tpu.memory_space<semaphore_mem>>) {add = true}
        %dma_wait3A_59 = arith.constant 0 : i32
        %dma_wait3A_60 = tpu.memref_slice %arg8[%mul3A_28, %dma_wait3A_59] : memref<80x128xi32, #tpu.memory_space<vmem>> -> memref<1x128xi32, #tpu.memory_space<vmem>>
        %dma_wait3A_61 = tpu.memref_squeeze %dma_wait3A_60 : memref<1x128xi32, #tpu.memory_space<vmem>> -> memref<128xi32, #tpu.memory_space<vmem>>
        %dma_wait3A_62 = arith.constant 0 : i32
        %dma_wait3A_63 = arith.constant 0 : i32
        %dma_wait3A_64 = tpu.memref_slice %arg12[%dma_wait3A_62, %dma_wait3A_63] : memref<10240x64xf32, #tpu.memory_space<vmem_shared>> -> memref<10240x64xf32, #tpu.memory_space<vmem_shared>>
        tpu.wait_indirect_dma semaphore(%run_scoped3A : memref<!tpu.dma_semaphore, #tpu.memory_space<semaphore_mem>>) src(%arg9 : memref<128x64xf32, #tpu.memory_space<vmem>>) dst(%dma_wait3A_64 : memref<10240x64xf32, #tpu.memory_space<vmem_shared>>)
        tpu.yield
      }) : () -> ()
      %lt3A = arith.constant 39 : i32
      %lt3A_41 = arith.cmpi slt, %scan3A_26, %lt3A : i32
      %convert_element_type3A = arith.extui %lt3A_41 : i1 to i32
      %cond3A = arith.constant 0 : i32
      %cond3A_42 = arith.cmpi ne, %convert_element_type3A, %cond3A : i32
      scf.if %cond3A_42 {
        %add3A_53 = arith.constant 2 : i32
        %add3A_54 = arith.addi %mul3A_28, %add3A_53 : i32
        %dma_start3A_55 = arith.constant 0 : i32
        %dma_start3A_56 = tpu.memref_slice %arg7[%add3A_54, %dma_start3A_55] : memref<80x128xi32, #tpu.memory_space<vmem>> -> memref<1x128xi32, #tpu.memory_space<vmem>>
        %dma_start3A_57 = tpu.memref_squeeze %dma_start3A_56 : memref<1x128xi32, #tpu.memory_space<vmem>> -> memref<128xi32, #tpu.memory_space<vmem>>
        %dma_start3A_58 = arith.constant 0 : i32
        %dma_start3A_59 = arith.constant 0 : i32
        %dma_start3A_60 = tpu.memref_slice %arg11[%dma_start3A_58, %dma_start3A_59] : memref<10240x64xf32, #tpu.memory_space<vmem_shared>> -> memref<10240x64xf32, #tpu.memory_space<vmem_shared>>
        tpu.enqueue_indirect_dma source(%dma_start3A_60 : memref<10240x64xf32, #tpu.memory_space<vmem_shared>>) target(%arg9 : memref<128x64xf32, #tpu.memory_space<vmem>>) offsets(%dma_start3A_57 : memref<128xi32, #tpu.memory_space<vmem>>) semaphore(%arg13 : memref<!tpu.dma_semaphore, #tpu.memory_space<semaphore_mem>>)
      } else {
      }
      %add3A_43 = arith.constant 1 : i32
      %add3A_44 = arith.addi %mul3A_28, %add3A_43 : i32
      %dma_wait3A_45 = arith.constant 0 : i32
      %dma_wait3A_46 = tpu.memref_slice %arg7[%add3A_44, %dma_wait3A_45] : memref<80x128xi32, #tpu.memory_space<vmem>> -> memref<1x128xi32, #tpu.memory_space<vmem>>
      %dma_wait3A_47 = tpu.memref_squeeze %dma_wait3A_46 : memref<1x128xi32, #tpu.memory_space<vmem>> -> memref<128xi32, #tpu.memory_space<vmem>>
      %dma_wait3A_48 = arith.constant 0 : i32
      %dma_wait3A_49 = arith.constant 0 : i32
      %dma_wait3A_50 = tpu.memref_slice %arg11[%dma_wait3A_48, %dma_wait3A_49] : memref<10240x64xf32, #tpu.memory_space<vmem_shared>> -> memref<10240x64xf32, #tpu.memory_space<vmem_shared>>
      tpu.wait_indirect_dma semaphore(%arg14 : memref<!tpu.dma_semaphore, #tpu.memory_space<semaphore_mem>>) src(%dma_wait3A_50 : memref<10240x64xf32, #tpu.memory_space<vmem_shared>>) dst(%arg10 : memref<128x64xf32, #tpu.memory_space<vmem>>)
      %add3A_51 = arith.constant 1 : i32
      %add3A_52 = arith.addi %mul3A_28, %add3A_51 : i32
      "tpu.region"() ({
        %run_scoped3A = tpu.sem_alloc : memref<!tpu.dma_semaphore, #tpu.memory_space<semaphore_mem>>
        %dma_start3A_53 = arith.constant 0 : i32
        %dma_start3A_54 = tpu.memref_slice %arg8[%add3A_52, %dma_start3A_53] : memref<80x128xi32, #tpu.memory_space<vmem>> -> memref<1x128xi32, #tpu.memory_space<vmem>>
        %dma_start3A_55 = tpu.memref_squeeze %dma_start3A_54 : memref<1x128xi32, #tpu.memory_space<vmem>> -> memref<128xi32, #tpu.memory_space<vmem>>
        %dma_start3A_56 = arith.constant 0 : i32
        %dma_start3A_57 = arith.constant 0 : i32
        %dma_start3A_58 = tpu.memref_slice %arg12[%dma_start3A_56, %dma_start3A_57] : memref<10240x64xf32, #tpu.memory_space<vmem_shared>> -> memref<10240x64xf32, #tpu.memory_space<vmem_shared>>
        tpu.enqueue_indirect_dma source(%arg10 : memref<128x64xf32, #tpu.memory_space<vmem>>) target(%dma_start3A_58 : memref<10240x64xf32, #tpu.memory_space<vmem_shared>>) offsets(%dma_start3A_55 : memref<128xi32, #tpu.memory_space<vmem>>) semaphore(%run_scoped3A : memref<!tpu.dma_semaphore, #tpu.memory_space<semaphore_mem>>) {add = true}
        %dma_wait3A_59 = arith.constant 0 : i32
        %dma_wait3A_60 = tpu.memref_slice %arg8[%add3A_52, %dma_wait3A_59] : memref<80x128xi32, #tpu.memory_space<vmem>> -> memref<1x128xi32, #tpu.memory_space<vmem>>
        %dma_wait3A_61 = tpu.memref_squeeze %dma_wait3A_60 : memref<1x128xi32, #tpu.memory_space<vmem>> -> memref<128xi32, #tpu.memory_space<vmem>>
        %dma_wait3A_62 = arith.constant 0 : i32
        %dma_wait3A_63 = arith.constant 0 : i32
        %dma_wait3A_64 = tpu.memref_slice %arg12[%dma_wait3A_62, %dma_wait3A_63] : memref<10240x64xf32, #tpu.memory_space<vmem_shared>> -> memref<10240x64xf32, #tpu.memory_space<vmem_shared>>
        tpu.wait_indirect_dma semaphore(%run_scoped3A : memref<!tpu.dma_semaphore, #tpu.memory_space<semaphore_mem>>) src(%arg10 : memref<128x64xf32, #tpu.memory_space<vmem>>) dst(%dma_wait3A_64 : memref<10240x64xf32, #tpu.memory_space<vmem_shared>>)
        tpu.yield
      }) : () -> ()
    }
    %scan3A_11 = arith.constant 40 : i32
    "tpu.region"() ({
      %run_scoped3A = tpu.sem_alloc : memref<!tpu.dma_semaphore, #tpu.memory_space<semaphore_mem>>
      %dma_start3A_26 = arith.constant 80 : i32
      %dma_start3A_27 = arith.constant 0 : i32
      %dma_start3A_28 = tpu.memref_slice %arg3[%arg1, %dma_start3A_26, %dma_start3A_27] : memref<16x160x128xi32, #tpu.memory_space<hbm>> -> memref<1x80x128xi32, #tpu.memory_space<hbm>>
      %dma_start3A_29 = tpu.memref_squeeze %dma_start3A_28 : memref<1x80x128xi32, #tpu.memory_space<hbm>> -> memref<80x128xi32, #tpu.memory_space<hbm>>
      %dma_start3A_30 = arith.constant 80 : i32
      %dma_start3A_31 = arith.constant 0 : i32
      %dma_start3A_32 = tpu.memref_slice %arg3[%arg1, %dma_start3A_30, %dma_start3A_31] : memref<16x160x128xi32, #tpu.memory_space<hbm>> -> memref<1x80x128xi32, #tpu.memory_space<hbm>>
      %dma_start3A_33 = tpu.memref_squeeze %dma_start3A_32 : memref<1x80x128xi32, #tpu.memory_space<hbm>> -> memref<80x128xi32, #tpu.memory_space<hbm>>
      tpu.enqueue_dma source(%dma_start3A_33 : memref<80x128xi32, #tpu.memory_space<hbm>>) target(%arg7 : memref<80x128xi32, #tpu.memory_space<vmem>>) target_semaphore(%run_scoped3A : memref<!tpu.dma_semaphore, #tpu.memory_space<semaphore_mem>>)
      %dma_wait3A = arith.constant 80 : i32
      %dma_wait3A_34 = arith.constant 0 : i32
      %dma_wait3A_35 = tpu.memref_slice %arg3[%arg1, %dma_wait3A, %dma_wait3A_34] : memref<16x160x128xi32, #tpu.memory_space<hbm>> -> memref<1x80x128xi32, #tpu.memory_space<hbm>>
      %dma_wait3A_36 = tpu.memref_squeeze %dma_wait3A_35 : memref<1x80x128xi32, #tpu.memory_space<hbm>> -> memref<80x128xi32, #tpu.memory_space<hbm>>
      %dma_wait3A_37 = arith.constant 80 : i32
      %dma_wait3A_38 = arith.constant 0 : i32
      %dma_wait3A_39 = tpu.memref_slice %arg3[%arg1, %dma_wait3A_37, %dma_wait3A_38] : memref<16x160x128xi32, #tpu.memory_space<hbm>> -> memref<1x80x128xi32, #tpu.memory_space<hbm>>
      %dma_wait3A_40 = tpu.memref_squeeze %dma_wait3A_39 : memref<1x80x128xi32, #tpu.memory_space<hbm>> -> memref<80x128xi32, #tpu.memory_space<hbm>>
      tpu.wait_dma2 semaphore(%run_scoped3A : memref<!tpu.dma_semaphore, #tpu.memory_space<semaphore_mem>>) src(%dma_wait3A_40 : memref<80x128xi32, #tpu.memory_space<hbm>>) dst(%arg7 : memref<80x128xi32, #tpu.memory_space<vmem>>)
      tpu.yield
    }) : () -> ()
    "tpu.region"() ({
      %run_scoped3A = tpu.sem_alloc : memref<!tpu.dma_semaphore, #tpu.memory_space<semaphore_mem>>
      %dma_start3A_26 = arith.constant 80 : i32
      %dma_start3A_27 = arith.constant 0 : i32
      %dma_start3A_28 = tpu.memref_slice %arg4[%arg1, %dma_start3A_26, %dma_start3A_27] : memref<16x160x128xi32, #tpu.memory_space<hbm>> -> memref<1x80x128xi32, #tpu.memory_space<hbm>>
      %dma_start3A_29 = tpu.memref_squeeze %dma_start3A_28 : memref<1x80x128xi32, #tpu.memory_space<hbm>> -> memref<80x128xi32, #tpu.memory_space<hbm>>
      %dma_start3A_30 = arith.constant 80 : i32
      %dma_start3A_31 = arith.constant 0 : i32
      %dma_start3A_32 = tpu.memref_slice %arg4[%arg1, %dma_start3A_30, %dma_start3A_31] : memref<16x160x128xi32, #tpu.memory_space<hbm>> -> memref<1x80x128xi32, #tpu.memory_space<hbm>>
      %dma_start3A_33 = tpu.memref_squeeze %dma_start3A_32 : memref<1x80x128xi32, #tpu.memory_space<hbm>> -> memref<80x128xi32, #tpu.memory_space<hbm>>
      tpu.enqueue_dma source(%dma_start3A_33 : memref<80x128xi32, #tpu.memory_space<hbm>>) target(%arg8 : memref<80x128xi32, #tpu.memory_space<vmem>>) target_semaphore(%run_scoped3A : memref<!tpu.dma_semaphore, #tpu.memory_space<semaphore_mem>>)
      %dma_wait3A = arith.constant 80 : i32
      %dma_wait3A_34 = arith.constant 0 : i32
      %dma_wait3A_35 = tpu.memref_slice %arg4[%arg1, %dma_wait3A, %dma_wait3A_34] : memref<16x160x128xi32, #tpu.memory_space<hbm>> -> memref<1x80x128xi32, #tpu.memory_space<hbm>>
      %dma_wait3A_36 = tpu.memref_squeeze %dma_wait3A_35 : memref<1x80x128xi32, #tpu.memory_space<hbm>> -> memref<80x128xi32, #tpu.memory_space<hbm>>
      %dma_wait3A_37 = arith.constant 80 : i32
      %dma_wait3A_38 = arith.constant 0 : i32
      %dma_wait3A_39 = tpu.memref_slice %arg4[%arg1, %dma_wait3A_37, %dma_wait3A_38] : memref<16x160x128xi32, #tpu.memory_space<hbm>> -> memref<1x80x128xi32, #tpu.memory_space<hbm>>
      %dma_wait3A_40 = tpu.memref_squeeze %dma_wait3A_39 : memref<1x80x128xi32, #tpu.memory_space<hbm>> -> memref<80x128xi32, #tpu.memory_space<hbm>>
      tpu.wait_dma2 semaphore(%run_scoped3A : memref<!tpu.dma_semaphore, #tpu.memory_space<semaphore_mem>>) src(%dma_wait3A_40 : memref<80x128xi32, #tpu.memory_space<hbm>>) dst(%arg8 : memref<80x128xi32, #tpu.memory_space<vmem>>)
      tpu.yield
    }) : () -> ()
    %dma_start3A_12 = arith.constant 0 : i32
    %dma_start3A_13 = arith.constant 0 : i32
    %dma_start3A_14 = tpu.memref_slice %arg7[%dma_start3A_12, %dma_start3A_13] : memref<80x128xi32, #tpu.memory_space<vmem>> -> memref<1x128xi32, #tpu.memory_space<vmem>>
    %dma_start3A_15 = tpu.memref_squeeze %dma_start3A_14 : memref<1x128xi32, #tpu.memory_space<vmem>> -> memref<128xi32, #tpu.memory_space<vmem>>
    %dma_start3A_16 = arith.constant 0 : i32
    %dma_start3A_17 = arith.constant 0 : i32
    %dma_start3A_18 = tpu.memref_slice %arg11[%dma_start3A_16, %dma_start3A_17] : memref<10240x64xf32, #tpu.memory_space<vmem_shared>> -> memref<10240x64xf32, #tpu.memory_space<vmem_shared>>
    tpu.enqueue_indirect_dma source(%dma_start3A_18 : memref<10240x64xf32, #tpu.memory_space<vmem_shared>>) target(%arg9 : memref<128x64xf32, #tpu.memory_space<vmem>>) offsets(%dma_start3A_15 : memref<128xi32, #tpu.memory_space<vmem>>) semaphore(%arg13 : memref<!tpu.dma_semaphore, #tpu.memory_space<semaphore_mem>>)
    %scan3A_19 = arith.constant 0 : i32
    %scan3A_20 = arith.constant 0 : i32
    %scan3A_21 = arith.constant 40 : i32
    %scan3A_22 = arith.addi %scan3A_20, %scan3A_21 : i32
    %scan3A_23 = arith.constant 1 : i32
    scf.for %scan3A_26 = %scan3A_20 to %scan3A_22 step %scan3A_23  : i32 {
      %mul3A_27 = arith.constant 2 : i32
      %mul3A_28 = arith.muli %scan3A_26, %mul3A_27 : i32
      %add3A = arith.constant 1 : i32
      %add3A_29 = arith.addi %mul3A_28, %add3A : i32
      %dma_start3A_30 = arith.constant 0 : i32
      %dma_start3A_31 = tpu.memref_slice %arg7[%add3A_29, %dma_start3A_30] : memref<80x128xi32, #tpu.memory_space<vmem>> -> memref<1x128xi32, #tpu.memory_space<vmem>>
      %dma_start3A_32 = tpu.memref_squeeze %dma_start3A_31 : memref<1x128xi32, #tpu.memory_space<vmem>> -> memref<128xi32, #tpu.memory_space<vmem>>
      %dma_start3A_33 = arith.constant 0 : i32
      %dma_start3A_34 = arith.constant 0 : i32
      %dma_start3A_35 = tpu.memref_slice %arg11[%dma_start3A_33, %dma_start3A_34] : memref<10240x64xf32, #tpu.memory_space<vmem_shared>> -> memref<10240x64xf32, #tpu.memory_space<vmem_shared>>
      tpu.enqueue_indirect_dma source(%dma_start3A_35 : memref<10240x64xf32, #tpu.memory_space<vmem_shared>>) target(%arg10 : memref<128x64xf32, #tpu.memory_space<vmem>>) offsets(%dma_start3A_32 : memref<128xi32, #tpu.memory_space<vmem>>) semaphore(%arg14 : memref<!tpu.dma_semaphore, #tpu.memory_space<semaphore_mem>>)
      %dma_wait3A = arith.constant 0 : i32
      %dma_wait3A_36 = tpu.memref_slice %arg7[%mul3A_28, %dma_wait3A] : memref<80x128xi32, #tpu.memory_space<vmem>> -> memref<1x128xi32, #tpu.memory_space<vmem>>
      %dma_wait3A_37 = tpu.memref_squeeze %dma_wait3A_36 : memref<1x128xi32, #tpu.memory_space<vmem>> -> memref<128xi32, #tpu.memory_space<vmem>>
      %dma_wait3A_38 = arith.constant 0 : i32
      %dma_wait3A_39 = arith.constant 0 : i32
      %dma_wait3A_40 = tpu.memref_slice %arg11[%dma_wait3A_38, %dma_wait3A_39] : memref<10240x64xf32, #tpu.memory_space<vmem_shared>> -> memref<10240x64xf32, #tpu.memory_space<vmem_shared>>
      tpu.wait_indirect_dma semaphore(%arg13 : memref<!tpu.dma_semaphore, #tpu.memory_space<semaphore_mem>>) src(%dma_wait3A_40 : memref<10240x64xf32, #tpu.memory_space<vmem_shared>>) dst(%arg9 : memref<128x64xf32, #tpu.memory_space<vmem>>)
      "tpu.region"() ({
        %run_scoped3A = tpu.sem_alloc : memref<!tpu.dma_semaphore, #tpu.memory_space<semaphore_mem>>
        %dma_start3A_53 = arith.constant 0 : i32
        %dma_start3A_54 = tpu.memref_slice %arg8[%mul3A_28, %dma_start3A_53] : memref<80x128xi32, #tpu.memory_space<vmem>> -> memref<1x128xi32, #tpu.memory_space<vmem>>
        %dma_start3A_55 = tpu.memref_squeeze %dma_start3A_54 : memref<1x128xi32, #tpu.memory_space<vmem>> -> memref<128xi32, #tpu.memory_space<vmem>>
        %dma_start3A_56 = arith.constant 0 : i32
        %dma_start3A_57 = arith.constant 0 : i32
        %dma_start3A_58 = tpu.memref_slice %arg12[%dma_start3A_56, %dma_start3A_57] : memref<10240x64xf32, #tpu.memory_space<vmem_shared>> -> memref<10240x64xf32, #tpu.memory_space<vmem_shared>>
        tpu.enqueue_indirect_dma source(%arg9 : memref<128x64xf32, #tpu.memory_space<vmem>>) target(%dma_start3A_58 : memref<10240x64xf32, #tpu.memory_space<vmem_shared>>) offsets(%dma_start3A_55 : memref<128xi32, #tpu.memory_space<vmem>>) semaphore(%run_scoped3A : memref<!tpu.dma_semaphore, #tpu.memory_space<semaphore_mem>>) {add = true}
        %dma_wait3A_59 = arith.constant 0 : i32
        %dma_wait3A_60 = tpu.memref_slice %arg8[%mul3A_28, %dma_wait3A_59] : memref<80x128xi32, #tpu.memory_space<vmem>> -> memref<1x128xi32, #tpu.memory_space<vmem>>
        %dma_wait3A_61 = tpu.memref_squeeze %dma_wait3A_60 : memref<1x128xi32, #tpu.memory_space<vmem>> -> memref<128xi32, #tpu.memory_space<vmem>>
        %dma_wait3A_62 = arith.constant 0 : i32
        %dma_wait3A_63 = arith.constant 0 : i32
        %dma_wait3A_64 = tpu.memref_slice %arg12[%dma_wait3A_62, %dma_wait3A_63] : memref<10240x64xf32, #tpu.memory_space<vmem_shared>> -> memref<10240x64xf32, #tpu.memory_space<vmem_shared>>
        tpu.wait_indirect_dma semaphore(%run_scoped3A : memref<!tpu.dma_semaphore, #tpu.memory_space<semaphore_mem>>) src(%arg9 : memref<128x64xf32, #tpu.memory_space<vmem>>) dst(%dma_wait3A_64 : memref<10240x64xf32, #tpu.memory_space<vmem_shared>>)
        tpu.yield
      }) : () -> ()
      %lt3A = arith.constant 39 : i32
      %lt3A_41 = arith.cmpi slt, %scan3A_26, %lt3A : i32
      %convert_element_type3A = arith.extui %lt3A_41 : i1 to i32
      %cond3A = arith.constant 0 : i32
      %cond3A_42 = arith.cmpi ne, %convert_element_type3A, %cond3A : i32
      scf.if %cond3A_42 {
        %add3A_53 = arith.constant 2 : i32
        %add3A_54 = arith.addi %mul3A_28, %add3A_53 : i32
        %dma_start3A_55 = arith.constant 0 : i32
        %dma_start3A_56 = tpu.memref_slice %arg7[%add3A_54, %dma_start3A_55] : memref<80x128xi32, #tpu.memory_space<vmem>> -> memref<1x128xi32, #tpu.memory_space<vmem>>
        %dma_start3A_57 = tpu.memref_squeeze %dma_start3A_56 : memref<1x128xi32, #tpu.memory_space<vmem>> -> memref<128xi32, #tpu.memory_space<vmem>>
        %dma_start3A_58 = arith.constant 0 : i32
        %dma_start3A_59 = arith.constant 0 : i32
        %dma_start3A_60 = tpu.memref_slice %arg11[%dma_start3A_58, %dma_start3A_59] : memref<10240x64xf32, #tpu.memory_space<vmem_shared>> -> memref<10240x64xf32, #tpu.memory_space<vmem_shared>>
        tpu.enqueue_indirect_dma source(%dma_start3A_60 : memref<10240x64xf32, #tpu.memory_space<vmem_shared>>) target(%arg9 : memref<128x64xf32, #tpu.memory_space<vmem>>) offsets(%dma_start3A_57 : memref<128xi32, #tpu.memory_space<vmem>>) semaphore(%arg13 : memref<!tpu.dma_semaphore, #tpu.memory_space<semaphore_mem>>)
      } else {
      }
      %add3A_43 = arith.constant 1 : i32
      %add3A_44 = arith.addi %mul3A_28, %add3A_43 : i32
      %dma_wait3A_45 = arith.constant 0 : i32
      %dma_wait3A_46 = tpu.memref_slice %arg7[%add3A_44, %dma_wait3A_45] : memref<80x128xi32, #tpu.memory_space<vmem>> -> memref<1x128xi32, #tpu.memory_space<vmem>>
      %dma_wait3A_47 = tpu.memref_squeeze %dma_wait3A_46 : memref<1x128xi32, #tpu.memory_space<vmem>> -> memref<128xi32, #tpu.memory_space<vmem>>
      %dma_wait3A_48 = arith.constant 0 : i32
      %dma_wait3A_49 = arith.constant 0 : i32
      %dma_wait3A_50 = tpu.memref_slice %arg11[%dma_wait3A_48, %dma_wait3A_49] : memref<10240x64xf32, #tpu.memory_space<vmem_shared>> -> memref<10240x64xf32, #tpu.memory_space<vmem_shared>>
      tpu.wait_indirect_dma semaphore(%arg14 : memref<!tpu.dma_semaphore, #tpu.memory_space<semaphore_mem>>) src(%dma_wait3A_50 : memref<10240x64xf32, #tpu.memory_space<vmem_shared>>) dst(%arg10 : memref<128x64xf32, #tpu.memory_space<vmem>>)
      %add3A_51 = arith.constant 1 : i32
      %add3A_52 = arith.addi %mul3A_28, %add3A_51 : i32
      "tpu.region"() ({
        %run_scoped3A = tpu.sem_alloc : memref<!tpu.dma_semaphore, #tpu.memory_space<semaphore_mem>>
        %dma_start3A_53 = arith.constant 0 : i32
        %dma_start3A_54 = tpu.memref_slice %arg8[%add3A_52, %dma_start3A_53] : memref<80x128xi32, #tpu.memory_space<vmem>> -> memref<1x128xi32, #tpu.memory_space<vmem>>
        %dma_start3A_55 = tpu.memref_squeeze %dma_start3A_54 : memref<1x128xi32, #tpu.memory_space<vmem>> -> memref<128xi32, #tpu.memory_space<vmem>>
        %dma_start3A_56 = arith.constant 0 : i32
        %dma_start3A_57 = arith.constant 0 : i32
        %dma_start3A_58 = tpu.memref_slice %arg12[%dma_start3A_56, %dma_start3A_57] : memref<10240x64xf32, #tpu.memory_space<vmem_shared>> -> memref<10240x64xf32, #tpu.memory_space<vmem_shared>>
        tpu.enqueue_indirect_dma source(%arg10 : memref<128x64xf32, #tpu.memory_space<vmem>>) target(%dma_start3A_58 : memref<10240x64xf32, #tpu.memory_space<vmem_shared>>) offsets(%dma_start3A_55 : memref<128xi32, #tpu.memory_space<vmem>>) semaphore(%run_scoped3A : memref<!tpu.dma_semaphore, #tpu.memory_space<semaphore_mem>>) {add = true}
        %dma_wait3A_59 = arith.constant 0 : i32
        %dma_wait3A_60 = tpu.memref_slice %arg8[%add3A_52, %dma_wait3A_59] : memref<80x128xi32, #tpu.memory_space<vmem>> -> memref<1x128xi32, #tpu.memory_space<vmem>>
        %dma_wait3A_61 = tpu.memref_squeeze %dma_wait3A_60 : memref<1x128xi32, #tpu.memory_space<vmem>> -> memref<128xi32, #tpu.memory_space<vmem>>
        %dma_wait3A_62 = arith.constant 0 : i32
        %dma_wait3A_63 = arith.constant 0 : i32
        %dma_wait3A_64 = tpu.memref_slice %arg12[%dma_wait3A_62, %dma_wait3A_63] : memref<10240x64xf32, #tpu.memory_space<vmem_shared>> -> memref<10240x64xf32, #tpu.memory_space<vmem_shared>>
        tpu.wait_indirect_dma semaphore(%run_scoped3A : memref<!tpu.dma_semaphore, #tpu.memory_space<semaphore_mem>>) src(%arg10 : memref<128x64xf32, #tpu.memory_space<vmem>>) dst(%dma_wait3A_64 : memref<10240x64xf32, #tpu.memory_space<vmem_shared>>)
        tpu.yield
      }) : () -> ()
    }
    %scan3A_24 = arith.constant 40 : i32
    %barrier3A_25 = arith.constant 0 : index
    tpu.barrier barrier_id(%barrier3A_25)
    "tpu.region"() ({
      %run_scoped3A = tpu.sem_alloc : memref<!tpu.dma_semaphore, #tpu.memory_space<semaphore_mem>>
      %dma_start3A_26 = arith.constant 0 : i32
      %dma_start3A_27 = tpu.memref_slice %arg6[%arg0, %mul3A_0, %dma_start3A_26] : memref<2x10240x64xf32, #tpu.memory_space<hbm>> -> memref<1x640x64xf32, #tpu.memory_space<hbm>>
      %dma_start3A_28 = tpu.memref_squeeze %dma_start3A_27 : memref<1x640x64xf32, #tpu.memory_space<hbm>> -> memref<640x64xf32, #tpu.memory_space<hbm>>
      %dma_start3A_29 = arith.constant 0 : i32
      %dma_start3A_30 = tpu.memref_slice %arg12[%mul3A_0, %dma_start3A_29] : memref<10240x64xf32, #tpu.memory_space<vmem_shared>> -> memref<640x64xf32, #tpu.memory_space<vmem_shared>>
      tpu.enqueue_dma source(%dma_start3A_30 : memref<640x64xf32, #tpu.memory_space<vmem_shared>>) target(%dma_start3A_28 : memref<640x64xf32, #tpu.memory_space<hbm>>) target_semaphore(%run_scoped3A : memref<!tpu.dma_semaphore, #tpu.memory_space<semaphore_mem>>)
      %dma_wait3A = arith.constant 0 : i32
      %dma_wait3A_31 = tpu.memref_slice %arg6[%arg0, %mul3A_0, %dma_wait3A] : memref<2x10240x64xf32, #tpu.memory_space<hbm>> -> memref<1x640x64xf32, #tpu.memory_space<hbm>>
      %dma_wait3A_32 = tpu.memref_squeeze %dma_wait3A_31 : memref<1x640x64xf32, #tpu.memory_space<hbm>> -> memref<640x64xf32, #tpu.memory_space<hbm>>
      %dma_wait3A_33 = arith.constant 0 : i32
      %dma_wait3A_34 = tpu.memref_slice %arg12[%mul3A_0, %dma_wait3A_33] : memref<10240x64xf32, #tpu.memory_space<vmem_shared>> -> memref<640x64xf32, #tpu.memory_space<vmem_shared>>
      tpu.wait_dma2 semaphore(%run_scoped3A : memref<!tpu.dma_semaphore, #tpu.memory_space<semaphore_mem>>) src(%dma_wait3A_34 : memref<640x64xf32, #tpu.memory_space<vmem_shared>>) dst(%dma_wait3A_32 : memref<640x64xf32, #tpu.memory_space<hbm>>)
      tpu.yield
    }) : () -> ()
    return
  }
}

module attributes {stable_mosaic.version = 14 : i64} {
  func.func @_mm_body(%arg0: i32, %arg1: memref<2048x128xf32, #tpu.memory_space<vmem>>, %arg2: memref<128x128xf32, #tpu.memory_space<vmem>>, %arg3: memref<1x128xf32, #tpu.memory_space<vmem>>, %arg4: memref<128x128xf32, #tpu.memory_space<vmem>>, %arg5: memref<2048x128xf32, #tpu.memory_space<vmem>>) attributes {dimension_semantics = [#tpu.dimension_semantics<arbitrary>], iteration_bounds = array<i64: 5>, scalar_prefetch = 0 : i64, scratch_operands = 0 : i64, tpu.core_type = #tpu.core_type<tc>, window_params = [{transform_indices = @transform_0, window_bounds = array<i64: 2048, 128>}, {pipeline_mode = #tpu.pipeline_mode<synchronous>, transform_indices = @transform_1, window_bounds = array<i64: 128, 128>}, {pipeline_mode = #tpu.pipeline_mode<synchronous>, transform_indices = @transform_2, window_bounds = array<i64: 1, 128>}, {pipeline_mode = #tpu.pipeline_mode<synchronous>, transform_indices = @transform_3, window_bounds = array<i64: 128, 128>}, {transform_indices = @transform_4, window_bounds = array<i64: 2048, 128>}]} {
    %get3A = arith.constant 0 : index
    %get3A_0 = arith.constant 0 : index
    %get3A_1 = vector.load %arg1[%get3A, %get3A_0] : memref<2048x128xf32, #tpu.memory_space<vmem>>, vector<2048x128xf32>
    %get3A_2 = arith.constant 0 : index
    %get3A_3 = arith.constant 0 : index
    %get3A_4 = vector.load %arg2[%get3A_2, %get3A_3] : memref<128x128xf32, #tpu.memory_space<vmem>>, vector<128x128xf32>
    %dot_general3A = arith.constant dense<0.000000e+00> : vector<2048x128xf32>
    %dot_general3A_5 = tpu.matmul %get3A_1, %get3A_4, %dot_general3A {dimension_numbers = #tpu.dot_dimension_numbers<[1], [0], [0], [1], [0, 0, 1, 1], [], []>, transpose_lhs_hint = false} : vector<2048x128xf32>, vector<128x128xf32>, vector<2048x128xf32> -> vector<2048x128xf32>
    %get3A_6 = arith.constant 0 : index
    %get3A_7 = arith.constant 0 : index
    %get3A_8 = vector.load %arg3[%get3A_6, %get3A_7] : memref<1x128xf32, #tpu.memory_space<vmem>>, vector<1x128xf32>
    %add3A = vector.broadcast %get3A_8 : vector<1x128xf32> to vector<2048x128xf32>
    %add3A_9 = arith.addf %dot_general3A_5, %add3A : vector<2048x128xf32>
    %get3A_10 = arith.constant 0 : index
    %get3A_11 = arith.constant 0 : index
    %get3A_12 = vector.load %arg4[%get3A_10, %get3A_11] : memref<128x128xf32, #tpu.memory_space<vmem>>, vector<128x128xf32>
    %dot_general3A_13 = arith.constant dense<0.000000e+00> : vector<2048x128xf32>
    %dot_general3A_14 = tpu.matmul %add3A_9, %get3A_12, %dot_general3A_13 {dimension_numbers = #tpu.dot_dimension_numbers<[1], [0], [0], [1], [0, 0, 1, 1], [], []>, transpose_lhs_hint = false} : vector<2048x128xf32>, vector<128x128xf32>, vector<2048x128xf32> -> vector<2048x128xf32>
    %swap3A = arith.constant 0 : index
    %swap3A_15 = arith.constant 0 : index
    %swap3A_16 = vector.load %arg5[%swap3A, %swap3A_15] : memref<2048x128xf32, #tpu.memory_space<vmem>>, vector<2048x128xf32>
    tpu.vector_store %arg5[%swap3A, %swap3A_15], %dot_general3A_14 {strides = array<i32>} : memref<2048x128xf32, #tpu.memory_space<vmem>>, vector<2048x128xf32>,
    return
  }
  func.func @transform_0(%arg0: i32) -> (i32, i32) {
    %c0_i32 = arith.constant 0 : i32
    %c0_i32_0 = arith.constant 0 : i32
    return %arg0, %c0_i32 : i32, i32
  }
  func.func @transform_1(%arg0: i32) -> (i32, i32) {
    %c0_i32 = arith.constant 0 : i32
    %c0_i32_0 = arith.constant 0 : i32
    %c0_i32_1 = arith.constant 0 : i32
    return %c0_i32, %c0_i32_0 : i32, i32
  }
  func.func @transform_2(%arg0: i32) -> (i32, i32) {
    %c0_i32 = arith.constant 0 : i32
    %c0_i32_0 = arith.constant 0 : i32
    %c0_i32_1 = arith.constant 0 : i32
    return %c0_i32, %c0_i32_0 : i32, i32
  }
  func.func @transform_3(%arg0: i32) -> (i32, i32) {
    %c0_i32 = arith.constant 0 : i32
    %c0_i32_0 = arith.constant 0 : i32
    %c0_i32_1 = arith.constant 0 : i32
    return %c0_i32, %c0_i32_0 : i32, i32
  }
  func.func @transform_4(%arg0: i32) -> (i32, i32) {
    %c0_i32 = arith.constant 0 : i32
    %c0_i32_0 = arith.constant 0 : i32
    return %arg0, %c0_i32 : i32, i32
  }
}

module attributes {stable_mosaic.version = 14 : i64} {
  func.func @_scale_body(%arg0: i32, %arg1: memref<2048x128xf32, #tpu.memory_space<vmem>>, %arg2: memref<2x2048x16xf32, #tpu.memory_space<vmem>>, %arg3: memref<2x2048x64xf32, #tpu.memory_space<vmem>>, %arg4: memref<2048xf32, #tpu.memory_space<vmem>>) attributes {dimension_semantics = [#tpu.dimension_semantics<arbitrary>], iteration_bounds = array<i64: 5>, scalar_prefetch = 0 : i64, scratch_operands = 0 : i64, tpu.core_type = #tpu.core_type<tc>, window_params = [{transform_indices = @transform_0, window_bounds = array<i64: 2048, 128>}, {transform_indices = @transform_1, window_bounds = array<i64: 2, 2048, 16>}, {transform_indices = @transform_2, window_bounds = array<i64: 2, 2048, 64>}, {transform_indices = @transform_3, window_bounds = array<i64: 2048>}]} {
    %get3A = arith.constant 0 : index
    %get3A_0 = arith.constant 0 : index
    %get3A_1 = arith.constant 0 : index
    %get3A_2 = vector.load %arg2[%get3A, %get3A_0, %get3A_1] : memref<2x2048x16xf32, #tpu.memory_space<vmem>>, vector<1x2048x1xf32>
    %get3A_3 = vector.shape_cast %get3A_2 : vector<1x2048x1xf32> to vector<2048xf32>
    %get3A_4 = arith.constant 1 : index
    %get3A_5 = arith.constant 0 : index
    %get3A_6 = arith.constant 0 : index
    %get3A_7 = vector.load %arg2[%get3A_4, %get3A_5, %get3A_6] : memref<2x2048x16xf32, #tpu.memory_space<vmem>>, vector<1x2048x1xf32>
    %get3A_8 = vector.shape_cast %get3A_7 : vector<1x2048x1xf32> to vector<2048xf32>
    %add3A = arith.addf %get3A_3, %get3A_8 : vector<2048xf32>
    %add3A_9 = arith.constant 1.000000e+00 : f32
    %add3A_10 = vector.broadcast %add3A_9 : f32 to vector<2048xf32>
    %add3A_11 = arith.addf %add3A, %add3A_10 : vector<2048xf32>
    %rsqrt3A = math.rsqrt %add3A_11 : vector<2048xf32>
    %get3A_12 = arith.constant 0 : index
    %get3A_13 = arith.constant 0 : index
    %get3A_14 = vector.load %arg1[%get3A_12, %get3A_13] : memref<2048x128xf32, #tpu.memory_space<vmem>>, vector<2048x128xf32>
    %broadcast_in_dim3A = vector.shape_cast %rsqrt3A : vector<2048xf32> to vector<2048x1xf32>
    %mul3A = vector.broadcast %broadcast_in_dim3A : vector<2048x1xf32> to vector<2048x128xf32>
    %mul3A_15 = arith.mulf %get3A_14, %mul3A : vector<2048x128xf32>
    %slice3A = vector.extract_strided_slice %mul3A_15 {offsets = [0, 0], sizes = [2048, 64], strides = [1, 1]} : vector<2048x128xf32> to vector<2048x64xf32>
    %swap3A = arith.constant 0 : index
    %swap3A_16 = arith.constant 0 : index
    %swap3A_17 = arith.constant 0 : index
    %swap3A_18 = vector.load %arg3[%swap3A, %swap3A_16, %swap3A_17] : memref<2x2048x64xf32, #tpu.memory_space<vmem>>, vector<1x2048x64xf32>
    %swap3A_19 = vector.shape_cast %swap3A_18 : vector<1x2048x64xf32> to vector<2048x64xf32>
    %swap3A_20 = vector.shape_cast %slice3A : vector<2048x64xf32> to vector<1x2048x64xf32>
    tpu.vector_store %arg3[%swap3A, %swap3A_16, %swap3A_17], %swap3A_20 {strides = array<i32>} : memref<2x2048x64xf32, #tpu.memory_space<vmem>>, vector<1x2048x64xf32>,
    %slice3A_21 = vector.extract_strided_slice %mul3A_15 {offsets = [0, 64], sizes = [2048, 64], strides = [1, 1]} : vector<2048x128xf32> to vector<2048x64xf32>
    %swap3A_22 = arith.constant 1 : index
    %swap3A_23 = arith.constant 0 : index
    %swap3A_24 = arith.constant 0 : index
    %swap3A_25 = vector.load %arg3[%swap3A_22, %swap3A_23, %swap3A_24] : memref<2x2048x64xf32, #tpu.memory_space<vmem>>, vector<1x2048x64xf32>
    %swap3A_26 = vector.shape_cast %swap3A_25 : vector<1x2048x64xf32> to vector<2048x64xf32>
    %swap3A_27 = vector.shape_cast %slice3A_21 : vector<2048x64xf32> to vector<1x2048x64xf32>
    tpu.vector_store %arg3[%swap3A_22, %swap3A_23, %swap3A_24], %swap3A_27 {strides = array<i32>} : memref<2x2048x64xf32, #tpu.memory_space<vmem>>, vector<1x2048x64xf32>,
    %swap3A_28 = arith.constant 0 : index
    %swap3A_29 = vector.load %arg4[%swap3A_28] : memref<2048xf32, #tpu.memory_space<vmem>>, vector<2048xf32>
    tpu.vector_store %arg4[%swap3A_28], %rsqrt3A {strides = array<i32>} : memref<2048xf32, #tpu.memory_space<vmem>>, vector<2048xf32>,
    return
  }
  func.func @transform_0(%arg0: i32) -> (i32, i32) {
    %c0_i32 = arith.constant 0 : i32
    %c0_i32_0 = arith.constant 0 : i32
    return %arg0, %c0_i32 : i32, i32
  }
  func.func @transform_1(%arg0: i32) -> (i32, i32, i32) {
    %c0_i32 = arith.constant 0 : i32
    %c0_i32_0 = arith.constant 0 : i32
    %c0_i32_1 = arith.constant 0 : i32
    return %c0_i32, %arg0, %c0_i32_0 : i32, i32, i32
  }
  func.func @transform_2(%arg0: i32) -> (i32, i32, i32) {
    %c0_i32 = arith.constant 0 : i32
    %c0_i32_0 = arith.constant 0 : i32
    %c0_i32_1 = arith.constant 0 : i32
    return %c0_i32, %arg0, %c0_i32_0 : i32, i32, i32
  }
  func.func @transform_3(%arg0: i32) -> i32 {
    %c0_i32 = arith.constant 0 : i32
    return %arg0 : i32
  }
}

module attributes {stable_mosaic.version = 14 : i64} {
  func.func @_mid_body(%arg0: i32, %arg1: memref<2x2048x64xf32, #tpu.memory_space<vmem>>, %arg2: memref<2048x128xf32, #tpu.memory_space<vmem>>, %arg3: memref<2048xf32, #tpu.memory_space<vmem>>, %arg4: memref<1x128xf32, #tpu.memory_space<vmem>>, %arg5: memref<128x64xf32, #tpu.memory_space<vmem>>, %arg6: memref<128x2xf32, #tpu.memory_space<vmem>>, %arg7: memref<1x2xf32, #tpu.memory_space<vmem>>, %arg8: memref<2048x64xf32, #tpu.memory_space<vmem>>, %arg9: memref<2x2048x32xf32, #tpu.memory_space<vmem>>, %arg10: memref<1x128xf32, #tpu.memory_space<vmem>>) attributes {dimension_semantics = [#tpu.dimension_semantics<arbitrary>], iteration_bounds = array<i64: 5>, scalar_prefetch = 0 : i64, scratch_operands = 0 : i64, tpu.core_type = #tpu.core_type<tc>, window_params = [{transform_indices = @transform_0, window_bounds = array<i64: 2, 2048, 64>}, {transform_indices = @transform_1, window_bounds = array<i64: 2048, 128>}, {transform_indices = @transform_2, window_bounds = array<i64: 2048>}, {pipeline_mode = #tpu.pipeline_mode<synchronous>, transform_indices = @transform_3, window_bounds = array<i64: 1, 128>}, {pipeline_mode = #tpu.pipeline_mode<synchronous>, transform_indices = @transform_4, window_bounds = array<i64: 128, 64>}, {pipeline_mode = #tpu.pipeline_mode<synchronous>, transform_indices = @transform_5, window_bounds = array<i64: 128, 2>}, {pipeline_mode = #tpu.pipeline_mode<synchronous>, transform_indices = @transform_6, window_bounds = array<i64: 1, 2>}, {transform_indices = @transform_7, window_bounds = array<i64: 2048, 64>}, {transform_indices = @transform_8, window_bounds = array<i64: 2, 2048, 32>}, {pipeline_mode = #tpu.pipeline_mode<synchronous>, transform_indices = @transform_9, window_bounds = array<i64: 1, 128>}]} {
    %get3A = arith.constant 0 : index
    %get3A_0 = arith.constant 0 : index
    %get3A_1 = arith.constant 0 : index
    %get3A_2 = vector.load %arg1[%get3A, %get3A_0, %get3A_1] : memref<2x2048x64xf32, #tpu.memory_space<vmem>>, vector<1x2048x64xf32>
    %get3A_3 = vector.shape_cast %get3A_2 : vector<1x2048x64xf32> to vector<2048x64xf32>
    %get3A_4 = arith.constant 1 : index
    %get3A_5 = arith.constant 0 : index
    %get3A_6 = arith.constant 0 : index
    %get3A_7 = vector.load %arg1[%get3A_4, %get3A_5, %get3A_6] : memref<2x2048x64xf32, #tpu.memory_space<vmem>>, vector<1x2048x64xf32>
    %get3A_8 = vector.shape_cast %get3A_7 : vector<1x2048x64xf32> to vector<2048x64xf32>
    %concatenate3A = tpu.concatenate %get3A_3, %get3A_8 in 1 : vector<2048x64xf32>, vector<2048x64xf32> -> vector<2048x128xf32>
    %get3A_9 = arith.constant 0 : index
    %get3A_10 = vector.load %arg3[%get3A_9] : memref<2048xf32, #tpu.memory_space<vmem>>, vector<2048xf32>
    %broadcast_in_dim3A = vector.shape_cast %get3A_10 : vector<2048xf32> to vector<2048x1xf32>
    %mul3A = vector.broadcast %broadcast_in_dim3A : vector<2048x1xf32> to vector<2048x128xf32>
    %mul3A_11 = arith.mulf %concatenate3A, %mul3A : vector<2048x128xf32>
    %get3A_12 = arith.constant 0 : index
    %get3A_13 = arith.constant 0 : index
    %get3A_14 = vector.load %arg2[%get3A_12, %get3A_13] : memref<2048x128xf32, #tpu.memory_space<vmem>>, vector<2048x128xf32>
    %mul3A_15 = arith.mulf %get3A_10, %get3A_10 : vector<2048xf32>
    %broadcast_in_dim3A_16 = vector.shape_cast %mul3A_15 : vector<2048xf32> to vector<2048x1xf32>
    %mul3A_17 = vector.broadcast %broadcast_in_dim3A_16 : vector<2048x1xf32> to vector<2048x128xf32>
    %mul3A_18 = arith.mulf %get3A_14, %mul3A_17 : vector<2048x128xf32>
    %add3A = arith.addf %mul3A_11, %mul3A_18 : vector<2048x128xf32>
    %get3A_19 = arith.constant 0 : index
    %get3A_20 = arith.constant 0 : index
    %get3A_21 = vector.load %arg4[%get3A_19, %get3A_20] : memref<1x128xf32, #tpu.memory_space<vmem>>, vector<1x128xf32>
    %add3A_22 = vector.broadcast %get3A_21 : vector<1x128xf32> to vector<2048x128xf32>
    %add3A_23 = arith.addf %add3A, %add3A_22 : vector<2048x128xf32>
    %max3A = arith.constant 0.000000e+00 : f32
    %max3A_24 = vector.broadcast %max3A : f32 to vector<2048x128xf32>
    %max3A_25 = arith.maximumf %add3A_23, %max3A_24 : vector<2048x128xf32>
    %get3A_26 = arith.constant 0 : index
    %get3A_27 = arith.constant 0 : index
    %get3A_28 = vector.load %arg5[%get3A_26, %get3A_27] : memref<128x64xf32, #tpu.memory_space<vmem>>, vector<128x64xf32>
    %dot_general3A = arith.constant dense<0.000000e+00> : vector<2048x64xf32>
    %dot_general3A_29 = tpu.matmul %max3A_25, %get3A_28, %dot_general3A {dimension_numbers = #tpu.dot_dimension_numbers<[1], [0], [0], [1], [0, 0, 1, 1], [], []>, transpose_lhs_hint = false} : vector<2048x128xf32>, vector<128x64xf32>, vector<2048x64xf32> -> vector<2048x64xf32>
    %swap3A = arith.constant 0 : index
    %swap3A_30 = arith.constant 0 : index
    %swap3A_31 = vector.load %arg8[%swap3A, %swap3A_30] : memref<2048x64xf32, #tpu.memory_space<vmem>>, vector<2048x64xf32>
    tpu.vector_store %arg8[%swap3A, %swap3A_30], %dot_general3A_29 {strides = array<i32>} : memref<2048x64xf32, #tpu.memory_space<vmem>>, vector<2048x64xf32>,
    %broadcast_in_dim3A_32 = vector.shape_cast %get3A_10 : vector<2048xf32> to vector<2048x1xf32>
    %mul3A_33 = vector.broadcast %broadcast_in_dim3A_32 : vector<2048x1xf32> to vector<2048x64xf32>
    %mul3A_34 = arith.mulf %dot_general3A_29, %mul3A_33 : vector<2048x64xf32>
    %slice3A = vector.extract_strided_slice %mul3A_34 {offsets = [0, 0], sizes = [2048, 32], strides = [1, 1]} : vector<2048x64xf32> to vector<2048x32xf32>
    %swap3A_35 = arith.constant 0 : index
    %swap3A_36 = arith.constant 0 : index
    %swap3A_37 = arith.constant 0 : index
    %swap3A_38 = vector.load %arg9[%swap3A_35, %swap3A_36, %swap3A_37] : memref<2x2048x32xf32, #tpu.memory_space<vmem>>, vector<1x2048x32xf32>
    %swap3A_39 = vector.shape_cast %swap3A_38 : vector<1x2048x32xf32> to vector<2048x32xf32>
    %swap3A_40 = vector.shape_cast %slice3A : vector<2048x32xf32> to vector<1x2048x32xf32>
    tpu.vector_store %arg9[%swap3A_35, %swap3A_36, %swap3A_37], %swap3A_40 {strides = array<i32>} : memref<2x2048x32xf32, #tpu.memory_space<vmem>>, vector<1x2048x32xf32>,
    %slice3A_41 = vector.extract_strided_slice %mul3A_34 {offsets = [0, 32], sizes = [2048, 32], strides = [1, 1]} : vector<2048x64xf32> to vector<2048x32xf32>
    %swap3A_42 = arith.constant 1 : index
    %swap3A_43 = arith.constant 0 : index
    %swap3A_44 = arith.constant 0 : index
    %swap3A_45 = vector.load %arg9[%swap3A_42, %swap3A_43, %swap3A_44] : memref<2x2048x32xf32, #tpu.memory_space<vmem>>, vector<1x2048x32xf32>
    %swap3A_46 = vector.shape_cast %swap3A_45 : vector<1x2048x32xf32> to vector<2048x32xf32>
    %swap3A_47 = vector.shape_cast %slice3A_41 : vector<2048x32xf32> to vector<1x2048x32xf32>
    tpu.vector_store %arg9[%swap3A_42, %swap3A_43, %swap3A_44], %swap3A_47 {strides = array<i32>} : memref<2x2048x32xf32, #tpu.memory_space<vmem>>, vector<1x2048x32xf32>,
    %get3A_48 = arith.constant 0 : index
    %get3A_49 = arith.constant 0 : index
    %get3A_50 = vector.load %arg6[%get3A_48, %get3A_49] : memref<128x2xf32, #tpu.memory_space<vmem>>, vector<128x2xf32>
    %dot_general3A_51 = arith.constant dense<0.000000e+00> : vector<2048x2xf32>
    %dot_general3A_52 = tpu.matmul %max3A_25, %get3A_50, %dot_general3A_51 {dimension_numbers = #tpu.dot_dimension_numbers<[1], [0], [0], [1], [0, 0, 1, 1], [], []>, transpose_lhs_hint = false} : vector<2048x128xf32>, vector<128x2xf32>, vector<2048x2xf32> -> vector<2048x2xf32>
    %get3A_53 = arith.constant 0 : index
    %get3A_54 = arith.constant 0 : index
    %get3A_55 = vector.load %arg7[%get3A_53, %get3A_54] : memref<1x2xf32, #tpu.memory_space<vmem>>, vector<1x2xf32>
    %add3A_56 = vector.broadcast %get3A_55 : vector<1x2xf32> to vector<2048x2xf32>
    %add3A_57 = arith.addf %dot_general3A_52, %add3A_56 : vector<2048x2xf32>
    %logistic3A = arith.negf %add3A_57 : vector<2048x2xf32>
    %logistic3A_58 = math.exp %logistic3A : vector<2048x2xf32>
    %logistic3A_59 = arith.constant 1.000000e+00 : f32
    %logistic3A_60 = vector.broadcast %logistic3A_59 : f32 to vector<2048x2xf32>
    %logistic3A_61 = arith.addf %logistic3A_60, %logistic3A_58 : vector<2048x2xf32>
    %logistic3A_62 = arith.divf %logistic3A_60, %logistic3A_61 : vector<2048x2xf32>
    %slice3A_63 = vector.extract_strided_slice %logistic3A_62 {offsets = [0, 0], sizes = [2048, 1], strides = [1, 1]} : vector<2048x2xf32> to vector<2048x1xf32>
    %squeeze3A = vector.shape_cast %slice3A_63 : vector<2048x1xf32> to vector<2048xf32>
    %slice3A_64 = vector.extract_strided_slice %logistic3A_62 {offsets = [0, 1], sizes = [2048, 1], strides = [1, 1]} : vector<2048x2xf32> to vector<2048x1xf32>
    %squeeze3A_65 = vector.shape_cast %slice3A_64 : vector<2048x1xf32> to vector<2048xf32>
    %add3A_66 = arith.addf %squeeze3A, %squeeze3A_65 : vector<2048xf32>
    %iota3A = tpu.iota {dimensions = array<i32: 0>} : vector<2048x1xi32>
    %mul3A_67 = arith.constant 2048 : i32
    %mul3A_68 = arith.muli %arg0, %mul3A_67 : i32
    %add3A_69 = vector.broadcast %mul3A_68 : i32 to vector<2048x1xi32>
    %add3A_70 = arith.addi %iota3A, %add3A_69 : vector<2048x1xi32>
    %lt3A = arith.constant 10000 : i32
    %lt3A_71 = vector.broadcast %lt3A : i32 to vector<2048x1xi32>
    %lt3A_72 = arith.cmpi slt, %add3A_70, %lt3A_71 : vector<2048x1xi32>
    %broadcast_in_dim3A_73 = vector.shape_cast %add3A_66 : vector<2048xf32> to vector<2048x1xf32>
    %jit3A = arith.constant 0.000000e+00 : f32
    %broadcast_in_dim3A_74 = vector.broadcast %jit3A : f32 to vector<2048x1xf32>
    %select_n3A = arith.select %lt3A_72, %broadcast_in_dim3A_73, %broadcast_in_dim3A_74 : vector<2048x1xi1>, vector<2048x1xf32>
    %mul3A_75 = vector.broadcast %select_n3A : vector<2048x1xf32> to vector<2048x128xf32>
    %mul3A_76 = arith.mulf %max3A_25, %mul3A_75 : vector<2048x128xf32>
    %reduce_sum3A = arith.constant dense<0.000000e+00> : vector<128xf32>
    %reduce_sum3A_77 = vector.multi_reduction <add>, %mul3A_76, %reduce_sum3A [0] : vector<2048x128xf32> to vector<128xf32>
    %eq3A = arith.constant 0 : i32
    %eq3A_78 = arith.cmpi eq, %arg0, %eq3A : i32
    %convert_element_type3A = arith.extui %eq3A_78 : i1 to i32
    %cond3A = arith.constant 0 : i32
    %cond3A_79 = arith.cmpi ne, %convert_element_type3A, %cond3A : i32
    scf.if %cond3A_79 {
      %broadcast_in_dim3A_88 = arith.constant 0.000000e+00 : f32
      %broadcast_in_dim3A_89 = vector.broadcast %broadcast_in_dim3A_88 : f32 to vector<1x128xf32>
      %swap3A_90 = arith.constant 0 : index
      %swap3A_91 = arith.constant 0 : index
      %swap3A_92 = vector.load %arg10[%swap3A_90, %swap3A_91] : memref<1x128xf32, #tpu.memory_space<vmem>>, vector<1x128xf32>
      tpu.vector_store %arg10[%swap3A_90, %swap3A_91], %broadcast_in_dim3A_89 {strides = array<i32>} : memref<1x128xf32, #tpu.memory_space<vmem>>, vector<1x128xf32>,
    } else {
    }
    %get3A_80 = arith.constant 0 : index
    %get3A_81 = arith.constant 0 : index
    %get3A_82 = vector.load %arg10[%get3A_80, %get3A_81] : memref<1x128xf32, #tpu.memory_space<vmem>>, vector<1x128xf32>
    %broadcast_in_dim3A_83 = vector.shape_cast %reduce_sum3A_77 : vector<128xf32> to vector<1x128xf32>
    %add3A_84 = arith.addf %get3A_82, %broadcast_in_dim3A_83 : vector<1x128xf32>
    %swap3A_85 = arith.constant 0 : index
    %swap3A_86 = arith.constant 0 : index
    %swap3A_87 = vector.load %arg10[%swap3A_85, %swap3A_86] : memref<1x128xf32, #tpu.memory_space<vmem>>, vector<1x128xf32>
    tpu.vector_store %arg10[%swap3A_85, %swap3A_86], %add3A_84 {strides = array<i32>} : memref<1x128xf32, #tpu.memory_space<vmem>>, vector<1x128xf32>,
    return
  }
  func.func @transform_0(%arg0: i32) -> (i32, i32, i32) {
    %c0_i32 = arith.constant 0 : i32
    %c0_i32_0 = arith.constant 0 : i32
    %c0_i32_1 = arith.constant 0 : i32
    return %c0_i32, %arg0, %c0_i32_0 : i32, i32, i32
  }
  func.func @transform_1(%arg0: i32) -> (i32, i32) {
    %c0_i32 = arith.constant 0 : i32
    %c0_i32_0 = arith.constant 0 : i32
    return %arg0, %c0_i32 : i32, i32
  }
  func.func @transform_2(%arg0: i32) -> i32 {
    %c0_i32 = arith.constant 0 : i32
    return %arg0 : i32
  }
  func.func @transform_3(%arg0: i32) -> (i32, i32) {
    %c0_i32 = arith.constant 0 : i32
    %c0_i32_0 = arith.constant 0 : i32
    %c0_i32_1 = arith.constant 0 : i32
    return %c0_i32, %c0_i32_0 : i32, i32
  }
  func.func @transform_4(%arg0: i32) -> (i32, i32) {
    %c0_i32 = arith.constant 0 : i32
    %c0_i32_0 = arith.constant 0 : i32
    %c0_i32_1 = arith.constant 0 : i32
    return %c0_i32, %c0_i32_0 : i32, i32
  }
  func.func @transform_5(%arg0: i32) -> (i32, i32) {
    %c0_i32 = arith.constant 0 : i32
    %c0_i32_0 = arith.constant 0 : i32
    %c0_i32_1 = arith.constant 0 : i32
    return %c0_i32, %c0_i32_0 : i32, i32
  }
  func.func @transform_6(%arg0: i32) -> (i32, i32) {
    %c0_i32 = arith.constant 0 : i32
    %c0_i32_0 = arith.constant 0 : i32
    %c0_i32_1 = arith.constant 0 : i32
    return %c0_i32, %c0_i32_0 : i32, i32
  }
  func.func @transform_7(%arg0: i32) -> (i32, i32) {
    %c0_i32 = arith.constant 0 : i32
    %c0_i32_0 = arith.constant 0 : i32
    return %arg0, %c0_i32 : i32, i32
  }
  func.func @transform_8(%arg0: i32) -> (i32, i32, i32) {
    %c0_i32 = arith.constant 0 : i32
    %c0_i32_0 = arith.constant 0 : i32
    %c0_i32_1 = arith.constant 0 : i32
    return %c0_i32, %arg0, %c0_i32_0 : i32, i32, i32
  }
  func.func @transform_9(%arg0: i32) -> (i32, i32) {
    %c0_i32 = arith.constant 0 : i32
    %c0_i32_0 = arith.constant 0 : i32
    %c0_i32_1 = arith.constant 0 : i32
    return %c0_i32, %c0_i32_0 : i32, i32
  }
}

module attributes {stable_mosaic.version = 14 : i64} {
  func.func @_post_body(%arg0: i32, %arg1: memref<2x2048x32xf32, #tpu.memory_space<vmem>>, %arg2: memref<2048x64xf32, #tpu.memory_space<vmem>>, %arg3: memref<2048xf32, #tpu.memory_space<vmem>>, %arg4: memref<1x64xf32, #tpu.memory_space<vmem>>, %arg5: memref<2048x64xf32, #tpu.memory_space<vmem>>) attributes {dimension_semantics = [#tpu.dimension_semantics<arbitrary>], iteration_bounds = array<i64: 5>, scalar_prefetch = 0 : i64, scratch_operands = 0 : i64, tpu.core_type = #tpu.core_type<tc>, window_params = [{transform_indices = @transform_0, window_bounds = array<i64: 2, 2048, 32>}, {transform_indices = @transform_1, window_bounds = array<i64: 2048, 64>}, {transform_indices = @transform_2, window_bounds = array<i64: 2048>}, {pipeline_mode = #tpu.pipeline_mode<synchronous>, transform_indices = @transform_3, window_bounds = array<i64: 1, 64>}, {transform_indices = @transform_4, window_bounds = array<i64: 2048, 64>}]} {
    %get3A = arith.constant 0 : index
    %get3A_0 = arith.constant 0 : index
    %get3A_1 = arith.constant 0 : index
    %get3A_2 = vector.load %arg1[%get3A, %get3A_0, %get3A_1] : memref<2x2048x32xf32, #tpu.memory_space<vmem>>, vector<1x2048x32xf32>
    %get3A_3 = vector.shape_cast %get3A_2 : vector<1x2048x32xf32> to vector<2048x32xf32>
    %get3A_4 = arith.constant 1 : index
    %get3A_5 = arith.constant 0 : index
    %get3A_6 = arith.constant 0 : index
    %get3A_7 = vector.load %arg1[%get3A_4, %get3A_5, %get3A_6] : memref<2x2048x32xf32, #tpu.memory_space<vmem>>, vector<1x2048x32xf32>
    %get3A_8 = vector.shape_cast %get3A_7 : vector<1x2048x32xf32> to vector<2048x32xf32>
    %concatenate3A = tpu.concatenate %get3A_3, %get3A_8 in 1 : vector<2048x32xf32>, vector<2048x32xf32> -> vector<2048x64xf32>
    %get3A_9 = arith.constant 0 : index
    %get3A_10 = vector.load %arg3[%get3A_9] : memref<2048xf32, #tpu.memory_space<vmem>>, vector<2048xf32>
    %broadcast_in_dim3A = vector.shape_cast %get3A_10 : vector<2048xf32> to vector<2048x1xf32>
    %mul3A = vector.broadcast %broadcast_in_dim3A : vector<2048x1xf32> to vector<2048x64xf32>
    %mul3A_11 = arith.mulf %concatenate3A, %mul3A : vector<2048x64xf32>
    %get3A_12 = arith.constant 0 : index
    %get3A_13 = arith.constant 0 : index
    %get3A_14 = vector.load %arg2[%get3A_12, %get3A_13] : memref<2048x64xf32, #tpu.memory_space<vmem>>, vector<2048x64xf32>
    %mul3A_15 = arith.mulf %get3A_10, %get3A_10 : vector<2048xf32>
    %broadcast_in_dim3A_16 = vector.shape_cast %mul3A_15 : vector<2048xf32> to vector<2048x1xf32>
    %mul3A_17 = vector.broadcast %broadcast_in_dim3A_16 : vector<2048x1xf32> to vector<2048x64xf32>
    %mul3A_18 = arith.mulf %get3A_14, %mul3A_17 : vector<2048x64xf32>
    %add3A = arith.addf %mul3A_11, %mul3A_18 : vector<2048x64xf32>
    %get3A_19 = arith.constant 0 : index
    %get3A_20 = arith.constant 0 : index
    %get3A_21 = vector.load %arg4[%get3A_19, %get3A_20] : memref<1x64xf32, #tpu.memory_space<vmem>>, vector<1x64xf32>
    %add3A_22 = vector.broadcast %get3A_21 : vector<1x64xf32> to vector<2048x64xf32>
    %add3A_23 = arith.addf %add3A, %add3A_22 : vector<2048x64xf32>
    %swap3A = arith.constant 0 : index
    %swap3A_24 = arith.constant 0 : index
    %swap3A_25 = vector.load %arg5[%swap3A, %swap3A_24] : memref<2048x64xf32, #tpu.memory_space<vmem>>, vector<2048x64xf32>
    tpu.vector_store %arg5[%swap3A, %swap3A_24], %add3A_23 {strides = array<i32>} : memref<2048x64xf32, #tpu.memory_space<vmem>>, vector<2048x64xf32>,
    return
  }
  func.func @transform_0(%arg0: i32) -> (i32, i32, i32) {
    %c0_i32 = arith.constant 0 : i32
    %c0_i32_0 = arith.constant 0 : i32
    %c0_i32_1 = arith.constant 0 : i32
    return %c0_i32, %arg0, %c0_i32_0 : i32, i32, i32
  }
  func.func @transform_1(%arg0: i32) -> (i32, i32) {
    %c0_i32 = arith.constant 0 : i32
    %c0_i32_0 = arith.constant 0 : i32
    return %arg0, %c0_i32 : i32, i32
  }
  func.func @transform_2(%arg0: i32) -> i32 {
    %c0_i32 = arith.constant 0 : i32
    return %arg0 : i32
  }
  func.func @transform_3(%arg0: i32) -> (i32, i32) {
    %c0_i32 = arith.constant 0 : i32
    %c0_i32_0 = arith.constant 0 : i32
    %c0_i32_1 = arith.constant 0 : i32
    return %c0_i32, %c0_i32_0 : i32, i32
  }
  func.func @transform_4(%arg0: i32) -> (i32, i32) {
    %c0_i32 = arith.constant 0 : i32
    %c0_i32_0 = arith.constant 0 : i32
    return %arg0, %c0_i32 : i32, i32
  }
}

</mosaic_0001>

<sc_bundles>
// kernel: kernel.12.cloned.1.call-start
scs
__scs_entry_jumppad:
0x0: {  	(pc) =	sbr.rel $0x88, $3  }
0x1: {  	(tag) =	ssettag $0x0;
	lr =	simm.s32 $0x1  }
0x2: {  	[smem:$0x3F95] =	sst lr;
	_ =	strace $0xD0000000  }
0x3: {  	_ = 	snop  }
0x4: {  	_ = 	snop  }
0x5: {  	_ = 	snop  }
0x6: {  	_ = 	snop  }
0x7: {  	_ = 	snop  }
__scs_overlays_trampoline_lowered:
0x8: {  	[smem:$0x3FA4] =	sst s0  }
0x9: {  	[smem:$0x3FA5] =	sst s1  }
0xa: {  	[smem:$0x3FA6] =	sst s2  }
0xb: {  	[smem:$0x3FA7] =	sst s3  }
0xc: {  	[smem:$0x3FA8] =	sst s4  }
0xd: {  	[smem:$0x3FA9] =	sst s5  }
0xe: {  	[smem:$0x3FAA] =	sst s6  }
0xf: {  	[smem:$0x3FAB] =	sst s7  }
0x10: {  	[smem:$0x3FAC] =	sst s8  }
0x11: {  	[smem:$0x3FAD] =	sst s9;
	s0 =	simm.s32 @!p0 $0x0  }
0x12: {  	s1 =	sld [smem:$0x3F93];
	s0 =	simm.s32 @p0 $0x1  }
0x13: {  	[smem:$0x3FAE] =	sst s0;
	s0 =	simm.s32 @!p1 $0x0  }
0x14: {  	s2 =	sld [smem:$0x3F92];
	s0 =	simm.s32 @p1 $0x1  }
0x15: {  	[smem:$0x3FAF] =	sst s0;
	s0 =	simm.s32 @!p2 $0x0  }
0x16: {  	s3 =	sld [smem:$0x3FDB];
	s0 =	simm.s32 @p2 $0x1  }
0x17: {  	s4 =	simm.s32 $0x1BF5;
	[smem:$0x3FB1] =	sst s0  }
0x18: {  	s0 =	sld [smem:$0x3F94];
	_ =	swait.ge [sflag:s4], $0x0  }
0x19: {  	s7 =	sld [smem:$0x3F95]  }
0x1a: {  	s8 =	sadd.s32 $0xFFFFE003, lr  }
0x1b: {  	s9 =	sadd.s32 $0xFFFFFEF7, lr;
	s5 =	simm.s32 $0xFFFFFFFF;
	p2 =	slt.u32 s8, $0xFFFFF086  }
0x1c: {  	p1 =	slt.u32 s9, $0xF7A;
	s5 =	simm.s32 @!p2 $0x0  }
0x1d: {  	s5 =	simm.s32 @p1 $0x1;
	p0 =	seq.s32 s7, s2  }
0x1e: {  	s7 =	smul.u32 @!p0 $0xF7A, s2;
	p2 =	seq.s32 @!p0 s5, $0x0  }
0x1f: {  	s9 =	smul.u32 $0xF7A, s1;
	s8 =	simm.s32 @!p0 $0x1BF5;
	p2 =	por !p2, p0  }
0x20: {  	[sflag:s8] =	ssyncset.s32 @!p0 $0xFFFFF086;
	s6 =	sadd.s32 @!p0 s3, s7;
	s7 =	simm.s32 @!p0 $0x108  }
0x21: {  	s3 =	sadd.s32 s3, s9;
	s6 =	sadd.s32 @!p0 $0x88, s6;
	s7 =	simm.s32 @p2 $0x1082  }
0x22: {  	[simem:s7], [sflag:s8] =	dma.local @!p0 [hbm:s6], $0xF7A  }
0x23: {  	s9 =	sor.u32 $0xD0000000, s2;
	s6 =	simm.s32 $0x108;
	_ =	swait.ge @!p0 [sflag:s8], $0x0  }
0x24: {  	s3 =	sadd.s32 $0x88, s3;
	s6 =	simm.s32 @!p1 $0x1082;
	[sflag:s4] =	ssyncset.s32 $0xFFFFF086  }
0x25: {  	[simem:s6], [sflag:s4] =	dma.local [hbm:s3], $0xF7A  }
0x26: {  	[smem:$0x3F95] =	sst s1;
	(tag) =	ssettag s2;
	_ =	strace s9  }
0x27: {  	s1 =	sld [smem:$0x3FA5]  }
0x28: {  	s2 =	sld [smem:$0x3FA6]  }
0x29: {  	s4 =	sld [smem:$0x3FA8]  }
0x2a: {  	p0 =	seq.s32 s5, $0x0;
	s5 =	sld [smem:$0x3FA9]  }
0x2b: {  	s6 =	sld [smem:$0x3FAA]  }
0x2c: {  	s7 =	sld [smem:$0x3FAB]  }
0x2d: {  	s3 =	simm.s32 $0x108;
	s8 =	sld [smem:$0x3FAC]  }
0x2e: {  	s3 =	simm.s32 @!p0 $0x1082;
	s9 =	sld [smem:$0x3FAD]  }
0x2f: {  	lr =	sadd.s32 s0, s3;
	s0 =	sld [smem:$0x3FA4]  }
0x30: {  	s3 =	sld [smem:$0x3FA7]  }
0x31: {  	[smem:$0x3FB0] =	sst s10  }
0x32: {  	s10 =	sld [smem:$0x3FAE];
	_ =	sdelay $0x3  }
0x33: {  	p0 =	seq.s32 s10, $0x1;
	s10 =	sld [smem:$0x3FB0];
	_ =	sdelay $0x3  }
0x34: {  	[smem:$0x3FB0] =	sst s10  }
0x35: {  	s10 =	sld [smem:$0x3FAF];
	_ =	sdelay $0x3  }
0x36: {  	p1 =	seq.s32 s10, $0x1;
	s10 =	sld [smem:$0x3FB0];
	_ =	sdelay $0x3  }
0x37: {  	[smem:$0x3FB0] =	sst s10  }
0x38: {  	s10 =	sld [smem:$0x3FB1]  }
0x39: {  	_ = 	snop;
	(pc) =	sbr.ind lr, $3  }
0x3a: {  	_ = 	snop  }
0x3b: {  	_ = 	snop  }
0x3c: {  	p2 =	seq.s32 s10, $0x1;
	s10 =	sld [smem:$0x3FB0]  }
0x3d: {  	_ =	shalt  }
0x3e: {  	_ =	shalt  }
0x3f: {  	_ =	shalt  }
0x40: {  	_ =	shalt  }
0x41: {  	_ =	shalt  }
0x42: {  	_ =	shalt  }
0x43: {  	_ =	shalt  }
0x44: {  	_ =	shalt  }
0x45: {  	_ =	shalt  }
0x46: {  	_ =	shalt  }
0x47: {  	_ =	shalt  }
0x48: {  	_ =	shalt  }
0x49: {  	_ =	shalt  }
0x4a: {  	_ =	shalt  }
0x4b: {  	_ =	shalt  }
0x4c: {  	_ =	shalt  }
0x4d: {  	_ =	shalt  }
0x4e: {  	_ =	shalt  }
0x4f: {  	_ =	shalt  }
0x50: {  	_ =	shalt  }
0x51: {  	_ =	shalt  }
0x52: {  	_ =	shalt  }
0x53: {  	_ =	shalt  }
0x54: {  	_ =	shalt  }
0x55: {  	_ =	shalt  }
0x56: {  	_ =	shalt  }
0x57: {  	_ =	shalt  }
0x58: {  	_ =	shalt  }
0x59: {  	_ =	shalt  }
0x5a: {  	_ =	shalt  }
0x5b: {  	_ =	shalt  }
0x5c: {  	_ =	shalt  }
0x5d: {  	_ =	shalt  }
0x5e: {  	_ =	shalt  }
0x5f: {  	_ =	shalt  }
0x60: {  	_ =	shalt  }
0x61: {  	_ =	shalt  }
0x62: {  	_ =	shalt  }
0x63: {  	_ =	shalt  }
0x64: {  	_ =	shalt  }
0x65: {  	_ =	shalt  }
0x66: {  	_ =	shalt  }
0x67: {  	_ =	shalt  }
0x68: {  	_ =	shalt  }
0x69: {  	_ =	shalt  }
0x6a: {  	_ =	shalt  }
0x6b: {  	_ =	shalt  }
0x6c: {  	_ =	shalt  }
0x6d: {  	_ =	shalt  }
0x6e: {  	_ =	shalt  }
0x6f: {  	_ =	shalt  }
0x70: {  	_ =	shalt  }
0x71: {  	_ =	shalt  }
0x72: {  	_ =	shalt  }
0x73: {  	_ =	shalt  }
0x74: {  	_ =	shalt  }
0x75: {  	_ =	shalt  }
0x76: {  	_ =	shalt  }
0x77: {  	_ =	shalt  }
0x78: {  	_ =	shalt  }
0x79: {  	_ =	shalt  }
0x7a: {  	_ =	shalt  }
0x7b: {  	_ =	shalt  }
0x7c: {  	_ =	shalt  }
0x7d: {  	_ =	shalt  }
0x7e: {  	_ =	shalt  }
0x7f: {  	_ =	shalt  }
0x80: {  	_ =	shalt  }
0x81: {  	_ =	shalt  }
0x82: {  	_ =	shalt  }
0x83: {  	_ =	shalt  }
0x84: {  	_ =	shalt  }
0x85: {  	_ =	shalt  }
0x86: {  	_ =	shalt  }
0x87: {  	_ =	shalt  }
.Lfunc_end0:
.L_simem_size_0:
called_computation.1_lowered:
.L_overlay_start_0:
0x88: {  	s2 =	sld [smem:$0x3FD9]  }
0x89: {  	s3 =	sld [smem:$0x3FFE];
	_ =	sdelay $0x1  }
0x8a: {  	s1 =	srdreg.scid  }
0x8b: {  	s0 =	sand.u32 $0x1, s1  }
0x8c: {  	s14 =	sshll.u32 s0, $0xA;
	s2 =	sadd.s32 s3, s2  }
0x8d: {  	s2 =	sadd.s32 s2, s14  }
0x8e: {  	[smem:$0x3FBC] =	sst s2  }
0x8f: {  	_ = 	snop  }
0x90: {  	s2 =	sld [smem:$0x3FD0];
	_ =	sdelay $0x2  }
0x91: {  	s15 =	simm.s32 $0xA;
	s4 =	simm.s32 $0x10  }
0x92: {  	[smem:s4], [sflag:s15] =	dma.local [hbm:s2], $0x1  }
0x93: {  	_ =	swait.eq [sflag:s15], $0x1  }
0x94: {  	[sflag:s15] =	ssyncset.done $0x0  }
0x95: {  	[sflag:s15] =	ssyncadd.s32 $0xFFFFFFFF  }
0x96: {  	s16 =	sld [smem:$0x10];
	(tm) =	ssettm $0x1  }
0x97: {  	s17 =	sld [smem:$0x3FFB];
	_ =	sdelay $0x3  }
0x98: {  	_ =	strace s17  }
0x99: {  	s3 =	sld [smem:$0x3FFC];
	_ =	sdelay $0x3  }
0x9a: {  	_ =	strace s3  }
0x9b: {  	s3 =	sld [smem:$0x3FFD];
	_ =	sdelay $0x3  }
0x9c: {  	_ =	strace s3  }
0x9d: {  	_ =	strace $0x8FFFFFFF  }
0x9e: {  	s18 =	sld [smem:$0x3FDB];
	_ =	sdelay $0x1  }
0x9f: {  	s19 =	simm.s32 $_scs_section_size  }
0xa0: {  	s5 =	simm.s32 $_size__tile_overlayer_lowered;
	s6 =	simm.s32 $_tile_overlayer_lowered  }
0xa1: {  	s22 =	simm.s32 $0x1BFF;
	s21 =	sshll.u32 s6, $0x1;
	s3 =	sadd.s32 s19, s18  }
0xa2: {  	s7 =	simm.s32 $0x0;
	s20 =	sshll.u32 s5, $0x1;
	s5 =	sadd.s32 s21, s3  }
0xa3: {  	[timem:s7], [sflag:s22] =	dma.local [hbm:s5], s20  }
0xa4: {  	_ =	swait.ge [sflag:s22], s20  }
0xa5: {  	s4 =	ssub.s32 $0x0, s20;
	[sflag:s22] =	ssyncset.done $0x0  }
0xa6: {  	[sflag:s22] =	ssyncadd.s32 s4;
	_ =	sdelay $0x1  }
0xa7: {  	s23 =	simm.s32 $0x1B8B  }
0xa8: {  	_ =	swait.ge [sflag:s23], $0x1  }
0xa9: {  	[sflag:s23] =	ssyncset.done $0x0  }
0xaa: {  	s25 =	simm.s32 $0x1B8E;
	s24 =	sld [smem:$0x3FFE];
	[sflag:s23] =	ssyncadd.s32 $0xFFFFFFFF  }
0xab: {  	s26 =	simm.s32 $execute0_lowered;
	[smem:$0x3FD2] =	sst s25  }
0xac: {  	s5 =	sshll.u32 s26, $0x1;
	_ =	strace $0x80000049;
	[dreg:$0x1] =	wrdreg $0xFFFFFFFF  }
0xad: {  	s28 =	simm.s32 $_size_execute0_lowered;
	s3 =	sadd.s32 s3, s5;
	[dreg:$0x0] =	wrdreg $0x0  }
0xae: {  	s5 =	sshll.u32 s28, $0x1;
	[dreg:$0x2] =	wrdreg s3  }
0xaf: {  	[dreg:$0x3] =	wrdreg s5  }
0xb0: {  	[dreg:$0x4] =	wrdreg $0xC0  }
0xb1: {  	_ =	task [dreg:s7], $0x5FFFF  }
0xb2: {  	[dreg:$0x1] =	wrdreg $0xFFFFFFFF  }
0xb3: {  	[dreg:$0x0] =	wrdreg $0x60  }
0xb4: {  	[dreg:$0x2] =	wrdreg s24  }
0xb5: {  	[dreg:$0x3] =	wrdreg s16  }
0xb6: {  	[dreg:$0x4] =	wrdreg $0x90000  }
0xb7: {  	[dreg:$0x5] =	wrdreg $0x130000  }
0xb8: {  	[dreg:$0x6] =	wrdreg $0x9  }
0xb9: {  	_ =	task.clear_ibuf [dreg:s7], $0x7FFFF;
	_ =	strace $0x90000049  }
0xba: {  	s29 =	simm.s32 $0x9;
	_ =	strace $0x8000004B  }
0xbb: {  	_ =	swait.ge [sflag:s29], $0x1  }
0xbc: {  	[sflag:s29] =	ssyncadd.s32 $0xFFFFFFFF  }
0xbd: {  	_ =	strace $0x9000004B  }
0xbe: {  	_ =	sfence  }
0xbf: {  	s30 =	sld [smem:$0x0];
	_ =	sdelay $0x2  }
0xc0: {  	s31 =	sshll.u32 s1, $0xD;
	s1 =	sshrl.u32 s1, $0x2  }
0xc1: {  	s3 =	sand.u32 $0x4000, s31;
	s1 =	sadd.s32 s1, s30  }
0xc2: {  	s0 =	sor.u32 s3, s0;
	s1 =	sshll.u32 s1, $0x11  }
0xc3: {  	s0 =	sor.u32 s1, s0  }
0xc4: {  	s0 =	sadd.s32 $0x8F2B, s0  }
0xc5: {  	[sflag:s0] =	ssyncadd.remote.s32 $0x1  }
0xc6: {  	_ =	sfence.sel $0xFFFF  }
0xc7: {  	[dreg:$0x0] =	wrdreg $0xFFFFFFFF;
	(pc) =	sbr.abs _section_cstart, $3  }
0xc8: {  	[dreg:$0x1] =	wrdreg $0xFFFFFFFF  }
0xc9: {  	_ =	task.clear_ibuf [dreg:s7], $0x2FFFF;
	_ =	strace $0x9FFFFFFF  }
0xca: {  	(tm) =	ssettm $0x7FFFFFFF  }
0xcb: {  	_ =	shalt  }
tec
execute0_lowered:
.L_overlay_start_1:
0x0: {  	(tag) =	ssettag $0x1  }
0x1: {  	s5 =	rddreg [dreg:$0x0]  }
0x2: {  	s11 =	rddreg [dreg:$0x1]  }
0x3: {  	s2 =	rddreg [dreg:$0x2]  }
0x4: {  	s3 =	rddreg [dreg:$0x3]  }
0x5: {  	s1 =	stileid.u32;
	s6 =	srdreg.scid;
	s4 =	simm.s32 $0x0  }
0x6: {  	s18 =	simm.s32 $0x80;
	s19 =	simm.s32 $0x5000;
	s20 =	simm.s32 $0x7000  }
0x7: {  	s21 =	simm.s32 $0x1;
	s22 =	simm.s32 $0x2;
	s23 =	simm.s32 $0x2780  }
0x8: {  	s24 =	simm.s32 $0x4F00;
	s25 =	simm.s32 $0x4F80;
	s26 =	simm.s32 $0x0  }
0x9: {  	s7 =	smul.u32 $0xA000, s1;
	s6 =	sand.u32 $0x1, s6;
	[smem:$0x7FF] =	sst s4  }
0xa: {  	s10 =	sadd.s32 $0x11200, s5;
	s29 =	smul.u32 $0x5000, s1;
	s30 =	sshll.u32 s1, $0x6  }
0xb: {  	s8 =	smul.u32 $0xA0000, s6;
	_ =	strace $0x8000004A;
	s6 =	ssub.s32 $0x2, s6  }
0xc: {  	s9 =	sshrl.u32 s7, $0x3;
	s12 =	sshrl.u32 s6, $0x1;
	s15 =	sadd.s32 s7, s2  }
0xd: {  	s16 =	sadd.s32 s7, s3;
	s31 =	sshrl.u32 s29, $0x3;
	s8 =	sadd.s32 s7, s8  }
0xe: {  	s9 =	sadd.s32 s9, s5;
	s14 =	ssub.s32 s6, s12;
	s6 =	sor.u32 $0x1C03, s30  }
0xf: {  	s17 =	sadd.s32 $0x500, s31;
	s16 =	sshrl.u32 s16, $0x3;
	s8 =	sshrl.u32 s8, $0x3  }
0x10: {  	s7 =	sadd.s32 $0x43200, s9;
	s9 =	sadd.s32 s11, s31;
	s11 =	sadd.s32 s11, s17  }
0x11: {  	s13 =	sadd.s32 s8, s5;
	s8 =	sadd.s32 s10, s31;
	s10 =	sadd.s32 s10, s17  }
0x12: {  	s17 =	simm.s32 $0x2800;
	s5 =	sadd.s32 $0x1B200, s13;
	s12 =	sadd.s32 $0x57200, s13  }
0x13: {  	s13 =	smax.u32 s14, $0x1;
	s14 =	sshrl.u32 s15, $0x3;
	s15 =	simm.s32 $0x3  }
.LBB2_1:
0x14: {  	[spmem:s14], [sflag:s6] =	dma.local [hbm:s5], $0x1400  }
0x15: {  	_ =	swait.ge [sflag:s15], $0x1400  }
0x16: {  	[sflag:s15] =	ssyncset.done $0x0  }
0x17: {  	[sflag:s15] =	ssyncadd.s32 $0xFFFFEC00  }
0x18: {  	[spmem:s16], [sflag:s6] =	dma.local [hbm:s7], $0x1400  }
0x19: {  	_ =	swait.ge [sflag:s15], $0x1400  }
0x1a: {  	[sflag:s15] =	ssyncset.done $0x0  }
0x1b: {  	[sflag:s15] =	ssyncadd.s32 $0xFFFFEC00  }
0x1c: {  	[bflag:$0x0] =	sbarrier.arrive $0xFFFF  }
0x1d: {  	[tilespmem:s4], [sflag:$0x3] =	stream.linear.gather [hbm4b:s8+s4], $0x2800, $0x38;
	[tilespmem:$0x1D000] =	vst v63  }
0x1e: {  	_ =	swait.ge [sflag:s15], $0x2800  }
0x1f: {  	[sflag:s15] =	ssyncset.done $0x0  }
0x20: {  	[sflag:s15] =	ssyncadd.s32 $0xFFFFD800  }
0x21: {  	[tilespmem:s17], [sflag:$0x3] =	stream.linear.gather [hbm4b:s9+s4], $0x2800, $0x38;
	[tilespmem:$0x1D000] =	vst v63  }
0x22: {  	_ =	swait.ge [sflag:s15], $0x2800  }
0x23: {  	[sflag:s15] =	ssyncset.done $0x0  }
0x24: {  	[sflag:s15] =	ssyncadd.s32 $0xFFFFD800  }
0x25: {  	[tilespmem:s19], [sflag:$0x1] =	stream.indirect.gather [spmem:s2], $0x40, s4, s18, $0xb8;
	[tilespmem:$0x1D000] =	vst v63  }
0x26: {  	s28 =	simm.s32 $0x80  }
0x27: {  	[tilespmem:s20], [sflag:$0x2] =	stream.indirect.gather [spmem:s2], $0x40, s28, s18, $0xb8;
	[tilespmem:$0x1D000] =	vst v63  }
0x28: {  	_ =	swait.ge [sflag:s21], $0x2000  }
0x29: {  	[sflag:s21] =	ssyncset.done $0x0  }
0x2a: {  	s28 =	simm.s32 $0x2800;
	[sflag:s21] =	ssyncadd.s32 $0xFFFFE000  }
0x2b: {  	[spmem:s3] =	stream.indirect.scatter.add.f32 [tilespmem:s19], [sflag:$0x3], $0x40, s28, s18, $0xb8;
	[tilespmem:$0x1D000] =	vst v63  }
0x2c: {  	_ =	swait.ge [sflag:s15], $0x2000  }
0x2d: {  	[sflag:s15] =	ssyncset.done $0x0  }
0x2e: {  	s28 =	simm.s32 $0x100;
	[sflag:s15] =	ssyncadd.s32 $0xFFFFE000  }
0x2f: {  	[tilespmem:s19], [sflag:$0x1] =	stream.indirect.gather [spmem:s2], $0x40, s28, s18, $0xb8;
	[tilespmem:$0x1D000] =	vst v63  }
0x30: {  	_ =	swait.ge [sflag:s22], $0x2000  }
0x31: {  	[sflag:s22] =	ssyncset.done $0x0  }
0x32: {  	s28 =	simm.s32 $0x2880;
	[sflag:s22] =	ssyncadd.s32 $0xFFFFE000  }
0x33: {  	[spmem:s3] =	stream.indirect.scatter.add.f32 [tilespmem:s20], [sflag:$0x3], $0x40, s28, s18, $0xb8;
	[tilespmem:$0x1D000] =	vst v63  }
0x34: {  	_ =	swait.ge [sflag:s15], $0x2000  }
0x35: {  	s29 =	simm.s32 $0x800;
	s28 =	simm.s32 $0x100;
	[sflag:s15] =	ssyncset.done $0x0  }
.LBB2_2:
0x36: {  	s30 =	sadd.s32 $0x80, s28  }
0x37: {  	[sflag:s15] =	ssyncadd.s32 $0xFFFFE000;
	s31 =	smov.u32 s29;
	s0 =	sadd.s32 $0x400, s29  }
0x38: {  	[tilespmem:s20], [sflag:$0x2] =	stream.indirect.gather [spmem:s2], $0x40, s30, s18, $0xb8;
	[tilespmem:$0x1D000] =	vst v63  }
0x39: {  	p0 =	sne.s32 s29, $0x9800;
	_ =	swait.ge [sflag:s21], $0x2000  }
0x3a: {  	[sflag:s21] =	ssyncset.done $0x0  }
0x3b: {  	s29 =	sadd.s32 $0x2800, s28;
	[sflag:s21] =	ssyncadd.s32 $0xFFFFE000  }
0x3c: {  	[spmem:s3] =	stream.indirect.scatter.add.f32 [tilespmem:s19], [sflag:$0x3], $0x40, s29, s18, $0xb8;
	[tilespmem:$0x1D000] =	vst v63  }
0x3d: {  	_ =	swait.ge [sflag:s15], $0x2000  }
0x3e: {  	[sflag:s15] =	ssyncset.done $0x0  }
0x3f: {  	s29 =	sadd.s32 $0x100, s28;
	[sflag:s15] =	ssyncadd.s32 $0xFFFFE000  }
0x40: {  	[tilespmem:s19], [sflag:$0x1] =	stream.indirect.gather [spmem:s2], $0x40, s29, s18, $0xb8;
	[tilespmem:$0x1D000] =	vst v63  }
0x41: {  	_ =	swait.ge [sflag:s22], $0x2000  }
.Ltmp0:
0x42: {  	[sflag:s22] =	ssyncset.done $0x0;
	(pc) =	sbr.rel @p0 .LBB2_2-.Ltmp0, $4  }
0x43: {  	s28 =	sadd.s32 $0x2880, s28;
	[sflag:s22] =	ssyncadd.s32 $0xFFFFE000  }
0x44: {  	[spmem:s3] =	stream.indirect.scatter.add.f32 [tilespmem:s20], [sflag:$0x3], $0x40, s28, s18, $0xb8;
	[tilespmem:$0x1D000] =	vst v63  }
0x45: {  	_ =	swait.ge [sflag:s15], $0x2000  }
0x46: {  	s29 =	smov.u32 s0;
	s28 =	sshra.s32 s31, $0x2;
	[sflag:s15] =	ssyncset.done $0x0  }
0x47: {  	s0 =	sadd.s32 $0x80, s28;
	[sflag:s15] =	ssyncadd.s32 $0xFFFFE000  }
0x48: {  	[tilespmem:s20], [sflag:$0x2] =	stream.indirect.gather [spmem:s2], $0x40, s0, s18, $0xb8;
	[tilespmem:$0x1D000] =	vst v63  }
0x49: {  	_ =	swait.ge [sflag:s21], $0x2000  }
0x4a: {  	[sflag:s21] =	ssyncset.done $0x0  }
0x4b: {  	s30 =	sadd.s32 $0x2800, s28;
	[sflag:s21] =	ssyncadd.s32 $0xFFFFE000  }
0x4c: {  	[spmem:s3] =	stream.indirect.scatter.add.f32 [tilespmem:s19], [sflag:$0x3], $0x40, s30, s18, $0xb8;
	[tilespmem:$0x1D000] =	vst v63  }
0x4d: {  	_ =	swait.ge [sflag:s15], $0x2000  }
0x4e: {  	[sflag:s15] =	ssyncset.done $0x0  }
0x4f: {  	s31 =	sadd.s32 $0x100, s28;
	[sflag:s15] =	ssyncadd.s32 $0xFFFFE000  }
0x50: {  	[tilespmem:s19], [sflag:$0x1] =	stream.indirect.gather [spmem:s2], $0x40, s31, s18, $0xb8;
	[tilespmem:$0x1D000] =	vst v63  }
0x51: {  	_ =	swait.ge [sflag:s22], $0x2000  }
0x52: {  	[sflag:s22] =	ssyncset.done $0x0  }
0x53: {  	s30 =	sadd.s32 $0x2880, s28;
	[sflag:s22] =	ssyncadd.s32 $0xFFFFE000  }
0x54: {  	[spmem:s3] =	stream.indirect.scatter.add.f32 [tilespmem:s20], [sflag:$0x3], $0x40, s30, s18, $0xb8;
	[tilespmem:$0x1D000] =	vst v63  }
0x55: {  	_ =	swait.ge [sflag:s15], $0x2000  }
0x56: {  	[sflag:s15] =	ssyncset.done $0x0  }
0x57: {  	[sflag:s15] =	ssyncadd.s32 $0xFFFFE000  }
0x58: {  	[tilespmem:s20], [sflag:$0x2] =	stream.indirect.gather [spmem:s2], $0x40, s23, s18, $0xb8;
	[tilespmem:$0x1D000] =	vst v63  }
0x59: {  	_ =	swait.ge [sflag:s21], $0x2000  }
0x5a: {  	[sflag:s21] =	ssyncset.done $0x0  }
0x5b: {  	[sflag:s21] =	ssyncadd.s32 $0xFFFFE000  }
0x5c: {  	[spmem:s3] =	stream.indirect.scatter.add.f32 [tilespmem:s19], [sflag:$0x3], $0x40, s24, s18, $0xb8;
	[tilespmem:$0x1D000] =	vst v63  }
0x5d: {  	_ =	swait.ge [sflag:s15], $0x2000  }
0x5e: {  	[sflag:s15] =	ssyncset.done $0x0  }
0x5f: {  	[sflag:s15] =	ssyncadd.s32 $0xFFFFE000  }
0x60: {  	_ =	swait.ge [sflag:s22], $0x2000  }
0x61: {  	[sflag:s22] =	ssyncset.done $0x0  }
0x62: {  	[sflag:s22] =	ssyncadd.s32 $0xFFFFE000  }
0x63: {  	[spmem:s3] =	stream.indirect.scatter.add.f32 [tilespmem:s20], [sflag:$0x3], $0x40, s25, s18, $0xb8;
	[tilespmem:$0x1D000] =	vst v63  }
0x64: {  	_ =	swait.ge [sflag:s15], $0x2000  }
0x65: {  	[sflag:s15] =	ssyncset.done $0x0  }
0x66: {  	s31 =	simm.s32 $0x0;
	[sflag:s15] =	ssyncadd.s32 $0xFFFFE000  }
0x67: {  	[tilespmem:s31], [sflag:$0x3] =	stream.linear.gather [hbm4b:s10+s31], $0x2800, $0x38;
	[tilespmem:$0x1D000] =	vst v63  }
0x68: {  	_ =	swait.ge [sflag:s15], $0x2800  }
0x69: {  	[sflag:s15] =	ssyncset.done $0x0  }
0x6a: {  	[sflag:s15] =	ssyncadd.s32 $0xFFFFD800  }
0x6b: {  	[tilespmem:s17], [sflag:$0x3] =	stream.linear.gather [hbm4b:s11+s31], $0x2800, $0x38;
	[tilespmem:$0x1D000] =	vst v63  }
0x6c: {  	_ =	swait.ge [sflag:s15], $0x2800  }
0x6d: {  	[sflag:s15] =	ssyncset.done $0x0  }
0x6e: {  	[sflag:s15] =	ssyncadd.s32 $0xFFFFD800  }
0x6f: {  	[tilespmem:s19], [sflag:$0x1] =	stream.indirect.gather [spmem:s2], $0x40, s31, s18, $0xb8;
	[tilespmem:$0x1D000] =	vst v63  }
0x70: {  	s30 =	simm.s32 $0x80  }
0x71: {  	[tilespmem:s20], [sflag:$0x2] =	stream.indirect.gather [spmem:s2], $0x40, s30, s18, $0xb8;
	[tilespmem:$0x1D000] =	vst v63  }
0x72: {  	_ =	swait.ge [sflag:s21], $0x2000  }
0x73: {  	[sflag:s21] =	ssyncset.done $0x0  }
0x74: {  	s31 =	simm.s32 $0x2800;
	[sflag:s21] =	ssyncadd.s32 $0xFFFFE000  }
0x75: {  	[spmem:s3] =	stream.indirect.scatter.add.f32 [tilespmem:s19], [sflag:$0x3], $0x40, s31, s18, $0xb8;
	[tilespmem:$0x1D000] =	vst v63  }
0x76: {  	_ =	swait.ge [sflag:s15], $0x2000  }
0x77: {  	[sflag:s15] =	ssyncset.done $0x0  }
0x78: {  	s30 =	simm.s32 $0x100;
	[sflag:s15] =	ssyncadd.s32 $0xFFFFE000  }
0x79: {  	[tilespmem:s19], [sflag:$0x1] =	stream.indirect.gather [spmem:s2], $0x40, s30, s18, $0xb8;
	[tilespmem:$0x1D000] =	vst v63  }
0x7a: {  	_ =	swait.ge [sflag:s22], $0x2000  }
0x7b: {  	[sflag:s22] =	ssyncset.done $0x0  }
0x7c: {  	s31 =	simm.s32 $0x2880;
	[sflag:s22] =	ssyncadd.s32 $0xFFFFE000  }
0x7d: {  	[spmem:s3] =	stream.indirect.scatter.add.f32 [tilespmem:s20], [sflag:$0x3], $0x40, s31, s18, $0xb8;
	[tilespmem:$0x1D000] =	vst v63  }
0x7e: {  	_ =	swait.ge [sflag:s15], $0x2000  }
0x7f: {  	s29 =	simm.s32 $0x800;
	s28 =	simm.s32 $0x100;
	[sflag:s15] =	ssyncset.done $0x0  }
.LBB2_4:
0x80: {  	s0 =	sadd.s32 $0x80, s28  }
0x81: {  	[sflag:s15] =	ssyncadd.s32 $0xFFFFE000;
	s30 =	smov.u32 s29;
	s31 =	sadd.s32 $0x400, s29  }
0x82: {  	[tilespmem:s20], [sflag:$0x2] =	stream.indirect.gather [spmem:s2], $0x40, s0, s18, $0xb8;
	[tilespmem:$0x1D000] =	vst v63  }
0x83: {  	p0 =	sne.s32 s29, $0x9800;
	_ =	swait.ge [sflag:s21], $0x2000  }
0x84: {  	[sflag:s21] =	ssyncset.done $0x0  }
0x85: {  	s0 =	sadd.s32 $0x2800, s28;
	[sflag:s21] =	ssyncadd.s32 $0xFFFFE000  }
0x86: {  	[spmem:s3] =	stream.indirect.scatter.add.f32 [tilespmem:s19], [sflag:$0x3], $0x40, s0, s18, $0xb8;
	[tilespmem:$0x1D000] =	vst v63  }
0x87: {  	_ =	swait.ge [sflag:s15], $0x2000  }
0x88: {  	[sflag:s15] =	ssyncset.done $0x0  }
0x89: {  	s0 =	sadd.s32 $0x100, s28;
	[sflag:s15] =	ssyncadd.s32 $0xFFFFE000  }
0x8a: {  	[tilespmem:s19], [sflag:$0x1] =	stream.indirect.gather [spmem:s2], $0x40, s0, s18, $0xb8;
	[tilespmem:$0x1D000] =	vst v63  }
0x8b: {  	_ =	swait.ge [sflag:s22], $0x2000  }
.Ltmp1:
0x8c: {  	[sflag:s22] =	ssyncset.done $0x0;
	(pc) =	sbr.rel @p0 .LBB2_4-.Ltmp1, $4  }
0x8d: {  	s0 =	sadd.s32 $0x2880, s28;
	[sflag:s22] =	ssyncadd.s32 $0xFFFFE000  }
0x8e: {  	[spmem:s3] =	stream.indirect.scatter.add.f32 [tilespmem:s20], [sflag:$0x3], $0x40, s0, s18, $0xb8;
	[tilespmem:$0x1D000] =	vst v63  }
0x8f: {  	_ =	swait.ge [sflag:s15], $0x2000  }
0x90: {  	s29 =	smov.u32 s31;
	s28 =	sshra.s32 s30, $0x2;
	[sflag:s15] =	ssyncset.done $0x0  }
0x91: {  	s0 =	sadd.s32 $0x80, s28;
	[sflag:s15] =	ssyncadd.s32 $0xFFFFE000  }
0x92: {  	[tilespmem:s20], [sflag:$0x2] =	stream.indirect.gather [spmem:s2], $0x40, s0, s18, $0xb8;
	[tilespmem:$0x1D000] =	vst v63  }
0x93: {  	_ =	swait.ge [sflag:s21], $0x2000  }
0x94: {  	[sflag:s21] =	ssyncset.done $0x0  }
0x95: {  	s29 =	sadd.s32 $0x2800, s28;
	[sflag:s21] =	ssyncadd.s32 $0xFFFFE000  }
0x96: {  	[spmem:s3] =	stream.indirect.scatter.add.f32 [tilespmem:s19], [sflag:$0x3], $0x40, s29, s18, $0xb8;
	[tilespmem:$0x1D000] =	vst v63  }
0x97: {  	_ =	swait.ge [sflag:s15], $0x2000  }
0x98: {  	[sflag:s15] =	ssyncset.done $0x0  }
0x99: {  	s30 =	sadd.s32 $0x100, s28;
	[sflag:s15] =	ssyncadd.s32 $0xFFFFE000  }
0x9a: {  	[tilespmem:s19], [sflag:$0x1] =	stream.indirect.gather [spmem:s2], $0x40, s30, s18, $0xb8;
	[tilespmem:$0x1D000] =	vst v63  }
0x9b: {  	_ =	swait.ge [sflag:s22], $0x2000  }
0x9c: {  	[sflag:s22] =	ssyncset.done $0x0  }
0x9d: {  	s31 =	sadd.s32 $0x2880, s28;
	[sflag:s22] =	ssyncadd.s32 $0xFFFFE000  }
0x9e: {  	[spmem:s3] =	stream.indirect.scatter.add.f32 [tilespmem:s20], [sflag:$0x3], $0x40, s31, s18, $0xb8;
	[tilespmem:$0x1D000] =	vst v63  }
0x9f: {  	_ =	swait.ge [sflag:s15], $0x2000  }
0xa0: {  	[sflag:s15] =	ssyncset.done $0x0  }
0xa1: {  	[sflag:s15] =	ssyncadd.s32 $0xFFFFE000  }
0xa2: {  	[tilespmem:s20], [sflag:$0x2] =	stream.indirect.gather [spmem:s2], $0x40, s23, s18, $0xb8;
	[tilespmem:$0x1D000] =	vst v63  }
0xa3: {  	_ =	swait.ge [sflag:s21], $0x2000  }
0xa4: {  	[sflag:s21] =	ssyncset.done $0x0  }
0xa5: {  	[sflag:s21] =	ssyncadd.s32 $0xFFFFE000  }
0xa6: {  	[spmem:s3] =	stream.indirect.scatter.add.f32 [tilespmem:s19], [sflag:$0x3], $0x40, s24, s18, $0xb8;
	[tilespmem:$0x1D000] =	vst v63  }
0xa7: {  	_ =	swait.ge [sflag:s15], $0x2000  }
0xa8: {  	[sflag:s15] =	ssyncset.done $0x0  }
0xa9: {  	[sflag:s15] =	ssyncadd.s32 $0xFFFFE000  }
0xaa: {  	_ =	swait.ge [sflag:s22], $0x2000  }
0xab: {  	[sflag:s22] =	ssyncset.done $0x0  }
0xac: {  	[sflag:s22] =	ssyncadd.s32 $0xFFFFE000  }
0xad: {  	[spmem:s3] =	stream.indirect.scatter.add.f32 [tilespmem:s20], [sflag:$0x3], $0x40, s25, s18, $0xb8;
	[tilespmem:$0x1D000] =	vst v63  }
0xae: {  	_ =	swait.ge [sflag:s15], $0x2000  }
0xaf: {  	s26 =	sadd.s32 $0x1, s26;
	[sflag:s15] =	ssyncset.done $0x0  }
0xb0: {  	p0 =	sne.s32 s26, s13;
	[sflag:s15] =	ssyncadd.s32 $0xFFFFE000  }
.Ltmp2:
0xb1: {  	[bflag:$0x0] =	sbarrier.arrive $0xFFFF;
	(pc) =	sbr.rel @p0 .LBB2_1-.Ltmp2, $4  }
0xb2: {  	[hbm:s12], [sflag:s6] =	dma.local [spmem:s16], $0x1400  }
0xb3: {  	_ =	swait.ge [sflag:s15], $0x1400  }
0xb4: {  	[sflag:s15] =	ssyncset.done $0x0  }
0xb5: {  	[sflag:s15] =	ssyncadd.s32 $0xFFFFEC00  }
0xb6: {  	_ =	sfence.sel $0x180000  }
0xb7: {  	[bflag:$0x0] =	sbarrier.arrive $0xFFFF  }
0xb8: {  	_ =	strace $0x9000004A  }
0xb9: {  	[bflag:$0x2] =	sbarrier.arrive $0xFFFF  }
0xba: {  	p0 =	sne.s32 s1, $0x0;
	s0 =	rddreg [dreg:$0x4]  }
0xbb: {  	s0 =	sadd.s32 @!p0 $0x100000, s0  }
0xbc: {  	[sflag:s0] =	ssyncadd.tile.s32 @!p0 $0x1;
	_ =	shalt  }
.Lfunc_end2:
_tile_overlayer_lowered:
.L_overlay_start_2:
0xbd: {  	(tag) =	ssettag $0x2  }
0xbe: {  	s0 =	rddreg [dreg:$0x0];
	s2 =	stileid.u32  }
0xbf: {  	s1 =	rddreg [dreg:$0x1];
	p0 =	sne.s32 s2, $0x0  }
0xc0: {  	s3 =	rddreg [dreg:$0x2];
	[bflag:$0x3] =	sbarrier.arrive $0xFFFF;
	s2 =	simm.s32 @!p0 $0x1C03  }
0xc1: {  	[timem:s3], [sflag:s2] =	dma.local @!p0 [hbm:s0], s1  }
0xc2: {  	s0 =	simm.s32 @!p0 $0x3  }
0xc3: {  	_ =	swait.ge @!p0 [sflag:s0], s1  }
0xc4: {  	s1 =	ssub.s32 @!p0 $0x0, s1;
	[sflag:s0] =	ssyncset.done @!p0 $0x0  }
0xc5: {  	[sflag:s0] =	ssyncadd.s32 @!p0 s1  }
0xc6: {  	[bflag:$0x3] =	sbarrier.arrive $0xFFFF  }
0xc7: {  	_ =	shalt  }

// kernel: kernel.15.cloned.1.call-start
scs
__scs_entry_jumppad:
0x0: {  	(pc) =	sbr.rel $0x88, $3  }
0x1: {  	(tag) =	ssettag $0x0;
	lr =	simm.s32 $0x1  }
0x2: {  	[smem:$0x3F95] =	sst lr;
	_ =	strace $0xD0000000  }
0x3: {  	_ = 	snop  }
0x4: {  	_ = 	snop  }
0x5: {  	_ = 	snop  }
0x6: {  	_ = 	snop  }
0x7: {  	_ = 	snop  }
__scs_overlays_trampoline_lowered:
0x8: {  	[smem:$0x3FA4] =	sst s0  }
0x9: {  	[smem:$0x3FA5] =	sst s1  }
0xa: {  	[smem:$0x3FA6] =	sst s2  }
0xb: {  	[smem:$0x3FA7] =	sst s3  }
0xc: {  	[smem:$0x3FA8] =	sst s4  }
0xd: {  	[smem:$0x3FA9] =	sst s5  }
0xe: {  	[smem:$0x3FAA] =	sst s6  }
0xf: {  	[smem:$0x3FAB] =	sst s7  }
0x10: {  	[smem:$0x3FAC] =	sst s8  }
0x11: {  	[smem:$0x3FAD] =	sst s9;
	s0 =	simm.s32 @!p0 $0x0  }
0x12: {  	s1 =	sld [smem:$0x3F93];
	s0 =	simm.s32 @p0 $0x1  }
0x13: {  	[smem:$0x3FAE] =	sst s0;
	s0 =	simm.s32 @!p1 $0x0  }
0x14: {  	s2 =	sld [smem:$0x3F92];
	s0 =	simm.s32 @p1 $0x1  }
0x15: {  	[smem:$0x3FAF] =	sst s0;
	s0 =	simm.s32 @!p2 $0x0  }
0x16: {  	s3 =	sld [smem:$0x3FDB];
	s0 =	simm.s32 @p2 $0x1  }
0x17: {  	s4 =	simm.s32 $0x1BF5;
	[smem:$0x3FB1] =	sst s0  }
0x18: {  	s0 =	sld [smem:$0x3F94];
	_ =	swait.ge [sflag:s4], $0x0  }
0x19: {  	s7 =	sld [smem:$0x3F95]  }
0x1a: {  	s8 =	sadd.s32 $0xFFFFE003, lr  }
0x1b: {  	s9 =	sadd.s32 $0xFFFFFEF7, lr;
	s5 =	simm.s32 $0xFFFFFFFF;
	p2 =	slt.u32 s8, $0xFFFFF086  }
0x1c: {  	p1 =	slt.u32 s9, $0xF7A;
	s5 =	simm.s32 @!p2 $0x0  }
0x1d: {  	s5 =	simm.s32 @p1 $0x1;
	p0 =	seq.s32 s7, s2  }
0x1e: {  	s7 =	smul.u32 @!p0 $0xF7A, s2;
	p2 =	seq.s32 @!p0 s5, $0x0  }
0x1f: {  	s9 =	smul.u32 $0xF7A, s1;
	s8 =	simm.s32 @!p0 $0x1BF5;
	p2 =	por !p2, p0  }
0x20: {  	[sflag:s8] =	ssyncset.s32 @!p0 $0xFFFFF086;
	s6 =	sadd.s32 @!p0 s3, s7;
	s7 =	simm.s32 @!p0 $0x108  }
0x21: {  	s3 =	sadd.s32 s3, s9;
	s6 =	sadd.s32 @!p0 $0x88, s6;
	s7 =	simm.s32 @p2 $0x1082  }
0x22: {  	[simem:s7], [sflag:s8] =	dma.local @!p0 [hbm:s6], $0xF7A  }
0x23: {  	s9 =	sor.u32 $0xD0000000, s2;
	s6 =	simm.s32 $0x108;
	_ =	swait.ge @!p0 [sflag:s8], $0x0  }
0x24: {  	s3 =	sadd.s32 $0x88, s3;
	s6 =	simm.s32 @!p1 $0x1082;
	[sflag:s4] =	ssyncset.s32 $0xFFFFF086  }
0x25: {  	[simem:s6], [sflag:s4] =	dma.local [hbm:s3], $0xF7A  }
0x26: {  	[smem:$0x3F95] =	sst s1;
	(tag) =	ssettag s2;
	_ =	strace s9  }
0x27: {  	s1 =	sld [smem:$0x3FA5]  }
0x28: {  	s2 =	sld [smem:$0x3FA6]  }
0x29: {  	s4 =	sld [smem:$0x3FA8]  }
0x2a: {  	p0 =	seq.s32 s5, $0x0;
	s5 =	sld [smem:$0x3FA9]  }
0x2b: {  	s6 =	sld [smem:$0x3FAA]  }
0x2c: {  	s7 =	sld [smem:$0x3FAB]  }
0x2d: {  	s3 =	simm.s32 $0x108;
	s8 =	sld [smem:$0x3FAC]  }
0x2e: {  	s3 =	simm.s32 @!p0 $0x1082;
	s9 =	sld [smem:$0x3FAD]  }
0x2f: {  	lr =	sadd.s32 s0, s3;
	s0 =	sld [smem:$0x3FA4]  }
0x30: {  	s3 =	sld [smem:$0x3FA7]  }
0x31: {  	[smem:$0x3FB0] =	sst s10  }
0x32: {  	s10 =	sld [smem:$0x3FAE];
	_ =	sdelay $0x3  }
0x33: {  	p0 =	seq.s32 s10, $0x1;
	s10 =	sld [smem:$0x3FB0];
	_ =	sdelay $0x3  }
0x34: {  	[smem:$0x3FB0] =	sst s10  }
0x35: {  	s10 =	sld [smem:$0x3FAF];
	_ =	sdelay $0x3  }
0x36: {  	p1 =	seq.s32 s10, $0x1;
	s10 =	sld [smem:$0x3FB0];
	_ =	sdelay $0x3  }
0x37: {  	[smem:$0x3FB0] =	sst s10  }
0x38: {  	s10 =	sld [smem:$0x3FB1]  }
0x39: {  	_ = 	snop;
	(pc) =	sbr.ind lr, $3  }
0x3a: {  	_ = 	snop  }
0x3b: {  	_ = 	snop  }
0x3c: {  	p2 =	seq.s32 s10, $0x1;
	s10 =	sld [smem:$0x3FB0]  }
0x3d: {  	_ =	shalt  }
0x3e: {  	_ =	shalt  }
0x3f: {  	_ =	shalt  }
0x40: {  	_ =	shalt  }
0x41: {  	_ =	shalt  }
0x42: {  	_ =	shalt  }
0x43: {  	_ =	shalt  }
0x44: {  	_ =	shalt  }
0x45: {  	_ =	shalt  }
0x46: {  	_ =	shalt  }
0x47: {  	_ =	shalt  }
0x48: {  	_ =	shalt  }
0x49: {  	_ =	shalt  }
0x4a: {  	_ =	shalt  }
0x4b: {  	_ =	shalt  }
0x4c: {  	_ =	shalt  }
0x4d: {  	_ =	shalt  }
0x4e: {  	_ =	shalt  }
0x4f: {  	_ =	shalt  }
0x50: {  	_ =	shalt  }
0x51: {  	_ =	shalt  }
0x52: {  	_ =	shalt  }
0x53: {  	_ =	shalt  }
0x54: {  	_ =	shalt  }
0x55: {  	_ =	shalt  }
0x56: {  	_ =	shalt  }
0x57: {  	_ =	shalt  }
0x58: {  	_ =	shalt  }
0x59: {  	_ =	shalt  }
0x5a: {  	_ =	shalt  }
0x5b: {  	_ =	shalt  }
0x5c: {  	_ =	shalt  }
0x5d: {  	_ =	shalt  }
0x5e: {  	_ =	shalt  }
0x5f: {  	_ =	shalt  }
0x60: {  	_ =	shalt  }
0x61: {  	_ =	shalt  }
0x62: {  	_ =	shalt  }
0x63: {  	_ =	shalt  }
0x64: {  	_ =	shalt  }
0x65: {  	_ =	shalt  }
0x66: {  	_ =	shalt  }
0x67: {  	_ =	shalt  }
0x68: {  	_ =	shalt  }
0x69: {  	_ =	shalt  }
0x6a: {  	_ =	shalt  }
0x6b: {  	_ =	shalt  }
0x6c: {  	_ =	shalt  }
0x6d: {  	_ =	shalt  }
0x6e: {  	_ =	shalt  }
0x6f: {  	_ =	shalt  }
0x70: {  	_ =	shalt  }
0x71: {  	_ =	shalt  }
0x72: {  	_ =	shalt  }
0x73: {  	_ =	shalt  }
0x74: {  	_ =	shalt  }
0x75: {  	_ =	shalt  }
0x76: {  	_ =	shalt  }
0x77: {  	_ =	shalt  }
0x78: {  	_ =	shalt  }
0x79: {  	_ =	shalt  }
0x7a: {  	_ =	shalt  }
0x7b: {  	_ =	shalt  }
0x7c: {  	_ =	shalt  }
0x7d: {  	_ =	shalt  }
0x7e: {  	_ =	shalt  }
0x7f: {  	_ =	shalt  }
0x80: {  	_ =	shalt  }
0x81: {  	_ =	shalt  }
0x82: {  	_ =	shalt  }
0x83: {  	_ =	shalt  }
0x84: {  	_ =	shalt  }
0x85: {  	_ =	shalt  }
0x86: {  	_ =	shalt  }
0x87: {  	_ =	shalt  }
.Lfunc_end0:
.L_simem_size_0:
called_computation.2_lowered:
.L_overlay_start_0:
0x88: {  	s2 =	sld [smem:$0x3FD9]  }
0x89: {  	s3 =	sld [smem:$0x3FFE];
	_ =	sdelay $0x1  }
0x8a: {  	s1 =	srdreg.scid  }
0x8b: {  	s0 =	sand.u32 $0x1, s1  }
0x8c: {  	s14 =	sshll.u32 s0, $0xA;
	s2 =	sadd.s32 s3, s2  }
0x8d: {  	s2 =	sadd.s32 s2, s14  }
0x8e: {  	[smem:$0x3FBC] =	sst s2  }
0x8f: {  	_ = 	snop  }
0x90: {  	s2 =	sld [smem:$0x3FD0];
	_ =	sdelay $0x2  }
0x91: {  	s15 =	simm.s32 $0xA;
	s4 =	simm.s32 $0x10  }
0x92: {  	[smem:s4], [sflag:s15] =	dma.local [hbm:s2], $0x1  }
0x93: {  	_ =	swait.eq [sflag:s15], $0x1  }
0x94: {  	[sflag:s15] =	ssyncset.done $0x0  }
0x95: {  	[sflag:s15] =	ssyncadd.s32 $0xFFFFFFFF  }
0x96: {  	s16 =	sld [smem:$0x10];
	(tm) =	ssettm $0x1  }
0x97: {  	s17 =	sld [smem:$0x3FFB];
	_ =	sdelay $0x3  }
0x98: {  	_ =	strace s17  }
0x99: {  	s3 =	sld [smem:$0x3FFC];
	_ =	sdelay $0x3  }
0x9a: {  	_ =	strace s3  }
0x9b: {  	s3 =	sld [smem:$0x3FFD];
	_ =	sdelay $0x3  }
0x9c: {  	_ =	strace s3  }
0x9d: {  	_ =	strace $0x8FFFFFFF  }
0x9e: {  	s18 =	sld [smem:$0x3FDB];
	_ =	sdelay $0x1  }
0x9f: {  	s19 =	simm.s32 $_scs_section_size  }
0xa0: {  	s5 =	simm.s32 $_size__tile_overlayer_lowered;
	s6 =	simm.s32 $_tile_overlayer_lowered  }
0xa1: {  	s22 =	simm.s32 $0x1BFF;
	s21 =	sshll.u32 s6, $0x1;
	s3 =	sadd.s32 s19, s18  }
0xa2: {  	s7 =	simm.s32 $0x0;
	s20 =	sshll.u32 s5, $0x1;
	s5 =	sadd.s32 s21, s3  }
0xa3: {  	[timem:s7], [sflag:s22] =	dma.local [hbm:s5], s20  }
0xa4: {  	_ =	swait.ge [sflag:s22], s20  }
0xa5: {  	s4 =	ssub.s32 $0x0, s20;
	[sflag:s22] =	ssyncset.done $0x0  }
0xa6: {  	[sflag:s22] =	ssyncadd.s32 s4;
	_ =	sdelay $0x1  }
0xa7: {  	s23 =	simm.s32 $0x1B8B  }
0xa8: {  	_ =	swait.ge [sflag:s23], $0x1  }
0xa9: {  	[sflag:s23] =	ssyncset.done $0x0  }
0xaa: {  	s25 =	simm.s32 $0x1B8E;
	s24 =	sld [smem:$0x3FFE];
	[sflag:s23] =	ssyncadd.s32 $0xFFFFFFFF  }
0xab: {  	s26 =	simm.s32 $execute0_lowered;
	[smem:$0x3FD2] =	sst s25  }
0xac: {  	s5 =	sshll.u32 s26, $0x1;
	_ =	strace $0x8000004C;
	[dreg:$0x1] =	wrdreg $0xFFFFFFFF  }
0xad: {  	s28 =	simm.s32 $_size_execute0_lowered;
	s3 =	sadd.s32 s3, s5;
	[dreg:$0x0] =	wrdreg $0x0  }
0xae: {  	s5 =	sshll.u32 s28, $0x1;
	[dreg:$0x2] =	wrdreg s3  }
0xaf: {  	[dreg:$0x3] =	wrdreg s5  }
0xb0: {  	[dreg:$0x4] =	wrdreg $0xC0  }
0xb1: {  	_ =	task [dreg:s7], $0x5FFFF  }
0xb2: {  	[dreg:$0x1] =	wrdreg $0xFFFFFFFF  }
0xb3: {  	[dreg:$0x0] =	wrdreg $0x60  }
0xb4: {  	[dreg:$0x2] =	wrdreg s24  }
0xb5: {  	[dreg:$0x3] =	wrdreg s16  }
0xb6: {  	[dreg:$0x4] =	wrdreg $0x70000  }
0xb7: {  	[dreg:$0x5] =	wrdreg $0xC0000  }
0xb8: {  	[dreg:$0x6] =	wrdreg $0x9  }
0xb9: {  	_ =	task.clear_ibuf [dreg:s7], $0x7FFFF;
	_ =	strace $0x9000004C  }
0xba: {  	s29 =	simm.s32 $0x9;
	_ =	strace $0x8000004E  }
0xbb: {  	_ =	swait.ge [sflag:s29], $0x1  }
0xbc: {  	[sflag:s29] =	ssyncadd.s32 $0xFFFFFFFF  }
0xbd: {  	_ =	strace $0x9000004E  }
0xbe: {  	_ =	sfence  }
0xbf: {  	s30 =	sld [smem:$0x0];
	_ =	sdelay $0x2  }
0xc0: {  	s31 =	sshll.u32 s1, $0xD;
	s1 =	sshrl.u32 s1, $0x2  }
0xc1: {  	s3 =	sand.u32 $0x4000, s31;
	s1 =	sadd.s32 s1, s30  }
0xc2: {  	s0 =	sor.u32 s3, s0;
	s1 =	sshll.u32 s1, $0x11  }
0xc3: {  	s0 =	sor.u32 s1, s0  }
0xc4: {  	s0 =	sadd.s32 $0x8F2B, s0  }
0xc5: {  	[sflag:s0] =	ssyncadd.remote.s32 $0x1  }
0xc6: {  	_ =	sfence.sel $0xFFFF  }
0xc7: {  	[dreg:$0x0] =	wrdreg $0xFFFFFFFF;
	(pc) =	sbr.abs _section_cstart, $3  }
0xc8: {  	[dreg:$0x1] =	wrdreg $0xFFFFFFFF  }
0xc9: {  	_ =	task.clear_ibuf [dreg:s7], $0x2FFFF;
	_ =	strace $0x9FFFFFFF  }
0xca: {  	(tm) =	ssettm $0x7FFFFFFF  }
0xcb: {  	_ =	shalt  }
tec
execute0_lowered:
.L_overlay_start_1:
0x0: {  	(tag) =	ssettag $0x1  }
0x1: {  	s5 =	rddreg [dreg:$0x0]  }
0x2: {  	s11 =	rddreg [dreg:$0x1]  }
0x3: {  	s2 =	rddreg [dreg:$0x2]  }
0x4: {  	s0 =	stileid.u32;
	s1 =	srdreg.scid  }
0x5: {  	s3 =	rddreg [dreg:$0x3];
	s4 =	simm.s32 $0x0;
	s17 =	simm.s32 $0x2800  }
0x6: {  	s18 =	simm.s32 $0x80;
	s19 =	simm.s32 $0x5000;
	s20 =	simm.s32 $0x6000  }
0x7: {  	s21 =	simm.s32 $0x1;
	s22 =	simm.s32 $0x2;
	s23 =	simm.s32 $0x2780  }
0x8: {  	s24 =	simm.s32 $0x4F00;
	s25 =	simm.s32 $0x4F80;
	s26 =	simm.s32 $0x0  }
0x9: {  	s7 =	smul.u32 $0x5000, s0;
	s6 =	sand.u32 $0x1, s1;
	[smem:$0x7FF] =	sst s4  }
0xa: {  	s10 =	sadd.s32 $0x11200, s5;
	s30 =	sshll.u32 s0, $0x6;
	s8 =	smul.u32 $0x50000, s6  }
0xb: {  	_ =	strace $0x8000004D;
	s6 =	ssub.s32 $0x2, s6;
	s9 =	sshrl.u32 s7, $0x3  }
0xc: {  	s29 =	sshrl.u32 s6, $0x1;
	s15 =	sadd.s32 s7, s2;
	s16 =	sadd.s32 s7, s3  }
0xd: {  	s8 =	sadd.s32 s7, s8;
	s12 =	sadd.s32 s9, s5;
	s14 =	ssub.s32 s6, s29  }
0xe: {  	s6 =	sor.u32 $0x1C03, s30;
	s31 =	sadd.s32 $0x500, s9;
	s8 =	sshrl.u32 s8, $0x3  }
0xf: {  	s16 =	sshrl.u32 s16, $0x3;
	s7 =	sadd.s32 $0x2000, s12;
	s13 =	sadd.s32 s8, s5  }
0x10: {  	s8 =	sadd.s32 s10, s9;
	s9 =	sadd.s32 s11, s9;
	s10 =	sadd.s32 s10, s31  }
0x11: {  	s11 =	sadd.s32 s11, s31;
	s5 =	sadd.s32 $0x1B200, s13;
	s12 =	sadd.s32 $0x2F200, s13  }
0x12: {  	s13 =	smax.u32 s14, $0x1;
	s14 =	sshrl.u32 s15, $0x3;
	s15 =	simm.s32 $0x3  }
.LBB2_1:
0x13: {  	[spmem:s14], [sflag:s6] =	dma.local [hbm:s5], $0xA00  }
0x14: {  	_ =	swait.ge [sflag:s15], $0xA00  }
0x15: {  	[sflag:s15] =	ssyncset.done $0x0  }
0x16: {  	[sflag:s15] =	ssyncadd.s32 $0xFFFFF600  }
0x17: {  	[spmem:s16], [sflag:s6] =	dma.local [hbm:s7], $0xA00  }
0x18: {  	_ =	swait.ge [sflag:s15], $0xA00  }
0x19: {  	[sflag:s15] =	ssyncset.done $0x0  }
0x1a: {  	[sflag:s15] =	ssyncadd.s32 $0xFFFFF600  }
0x1b: {  	[bflag:$0x0] =	sbarrier.arrive $0xFFFF  }
0x1c: {  	[tilespmem:s4], [sflag:$0x3] =	stream.linear.gather [hbm4b:s8+s4], $0x2800, $0x38;
	[tilespmem:$0x11000] =	vst v63  }
0x1d: {  	_ =	swait.ge [sflag:s15], $0x2800  }
0x1e: {  	[sflag:s15] =	ssyncset.done $0x0  }
0x1f: {  	[sflag:s15] =	ssyncadd.s32 $0xFFFFD800  }
0x20: {  	[tilespmem:s17], [sflag:$0x3] =	stream.linear.gather [hbm4b:s9+s4], $0x2800, $0x38;
	[tilespmem:$0x11000] =	vst v63  }
0x21: {  	_ =	swait.ge [sflag:s15], $0x2800  }
0x22: {  	[sflag:s15] =	ssyncset.done $0x0  }
0x23: {  	[sflag:s15] =	ssyncadd.s32 $0xFFFFD800  }
0x24: {  	[tilespmem:s19], [sflag:$0x1] =	stream.indirect.gather [spmem:s2], $0x20, s4, s18, $0xb8;
	[tilespmem:$0x11000] =	vst v63  }
0x25: {  	s28 =	simm.s32 $0x80  }
0x26: {  	[tilespmem:s20], [sflag:$0x2] =	stream.indirect.gather [spmem:s2], $0x20, s28, s18, $0xb8;
	[tilespmem:$0x11000] =	vst v63  }
0x27: {  	_ =	swait.ge [sflag:s21], $0x1000  }
0x28: {  	[sflag:s21] =	ssyncset.done $0x0  }
0x29: {  	s28 =	simm.s32 $0x2800;
	[sflag:s21] =	ssyncadd.s32 $0xFFFFF000  }
0x2a: {  	[spmem:s3] =	stream.indirect.scatter.add.f32 [tilespmem:s19], [sflag:$0x3], $0x20, s28, s18, $0xb8;
	[tilespmem:$0x11000] =	vst v63  }
0x2b: {  	_ =	swait.ge [sflag:s15], $0x1000  }
0x2c: {  	[sflag:s15] =	ssyncset.done $0x0  }
0x2d: {  	s28 =	simm.s32 $0x100;
	[sflag:s15] =	ssyncadd.s32 $0xFFFFF000  }
0x2e: {  	[tilespmem:s19], [sflag:$0x1] =	stream.indirect.gather [spmem:s2], $0x20, s28, s18, $0xb8;
	[tilespmem:$0x11000] =	vst v63  }
0x2f: {  	_ =	swait.ge [sflag:s22], $0x1000  }
0x30: {  	[sflag:s22] =	ssyncset.done $0x0  }
0x31: {  	s28 =	simm.s32 $0x2880;
	[sflag:s22] =	ssyncadd.s32 $0xFFFFF000  }
0x32: {  	[spmem:s3] =	stream.indirect.scatter.add.f32 [tilespmem:s20], [sflag:$0x3], $0x20, s28, s18, $0xb8;
	[tilespmem:$0x11000] =	vst v63  }
0x33: {  	_ =	swait.ge [sflag:s15], $0x1000  }
0x34: {  	s29 =	simm.s32 $0x800;
	s28 =	simm.s32 $0x100;
	[sflag:s15] =	ssyncset.done $0x0  }
.LBB2_2:
0x35: {  	s30 =	sadd.s32 $0x80, s28  }
0x36: {  	[sflag:s15] =	ssyncadd.s32 $0xFFFFF000;
	s31 =	smov.u32 s29;
	s1 =	sadd.s32 $0x400, s29  }
0x37: {  	[tilespmem:s20], [sflag:$0x2] =	stream.indirect.gather [spmem:s2], $0x20, s30, s18, $0xb8;
	[tilespmem:$0x11000] =	vst v63  }
0x38: {  	p0 =	sne.s32 s29, $0x9800;
	_ =	swait.ge [sflag:s21], $0x1000  }
0x39: {  	[sflag:s21] =	ssyncset.done $0x0  }
0x3a: {  	s29 =	sadd.s32 $0x2800, s28;
	[sflag:s21] =	ssyncadd.s32 $0xFFFFF000  }
0x3b: {  	[spmem:s3] =	stream.indirect.scatter.add.f32 [tilespmem:s19], [sflag:$0x3], $0x20, s29, s18, $0xb8;
	[tilespmem:$0x11000] =	vst v63  }
0x3c: {  	_ =	swait.ge [sflag:s15], $0x1000  }
0x3d: {  	[sflag:s15] =	ssyncset.done $0x0  }
0x3e: {  	s29 =	sadd.s32 $0x100, s28;
	[sflag:s15] =	ssyncadd.s32 $0xFFFFF000  }
0x3f: {  	[tilespmem:s19], [sflag:$0x1] =	stream.indirect.gather [spmem:s2], $0x20, s29, s18, $0xb8;
	[tilespmem:$0x11000] =	vst v63  }
0x40: {  	_ =	swait.ge [sflag:s22], $0x1000  }
.Ltmp0:
0x41: {  	[sflag:s22] =	ssyncset.done $0x0;
	(pc) =	sbr.rel @p0 .LBB2_2-.Ltmp0, $4  }
0x42: {  	s28 =	sadd.s32 $0x2880, s28;
	[sflag:s22] =	ssyncadd.s32 $0xFFFFF000  }
0x43: {  	[spmem:s3] =	stream.indirect.scatter.add.f32 [tilespmem:s20], [sflag:$0x3], $0x20, s28, s18, $0xb8;
	[tilespmem:$0x11000] =	vst v63  }
0x44: {  	_ =	swait.ge [sflag:s15], $0x1000  }
0x45: {  	s29 =	smov.u32 s1;
	s28 =	sshra.s32 s31, $0x2;
	[sflag:s15] =	ssyncset.done $0x0  }
0x46: {  	s1 =	sadd.s32 $0x80, s28;
	[sflag:s15] =	ssyncadd.s32 $0xFFFFF000  }
0x47: {  	[tilespmem:s20], [sflag:$0x2] =	stream.indirect.gather [spmem:s2], $0x20, s1, s18, $0xb8;
	[tilespmem:$0x11000] =	vst v63  }
0x48: {  	_ =	swait.ge [sflag:s21], $0x1000  }
0x49: {  	[sflag:s21] =	ssyncset.done $0x0  }
0x4a: {  	s30 =	sadd.s32 $0x2800, s28;
	[sflag:s21] =	ssyncadd.s32 $0xFFFFF000  }
0x4b: {  	[spmem:s3] =	stream.indirect.scatter.add.f32 [tilespmem:s19], [sflag:$0x3], $0x20, s30, s18, $0xb8;
	[tilespmem:$0x11000] =	vst v63  }
0x4c: {  	_ =	swait.ge [sflag:s15], $0x1000  }
0x4d: {  	[sflag:s15] =	ssyncset.done $0x0  }
0x4e: {  	s31 =	sadd.s32 $0x100, s28;
	[sflag:s15] =	ssyncadd.s32 $0xFFFFF000  }
0x4f: {  	[tilespmem:s19], [sflag:$0x1] =	stream.indirect.gather [spmem:s2], $0x20, s31, s18, $0xb8;
	[tilespmem:$0x11000] =	vst v63  }
0x50: {  	_ =	swait.ge [sflag:s22], $0x1000  }
0x51: {  	[sflag:s22] =	ssyncset.done $0x0  }
0x52: {  	s30 =	sadd.s32 $0x2880, s28;
	[sflag:s22] =	ssyncadd.s32 $0xFFFFF000  }
0x53: {  	[spmem:s3] =	stream.indirect.scatter.add.f32 [tilespmem:s20], [sflag:$0x3], $0x20, s30, s18, $0xb8;
	[tilespmem:$0x11000] =	vst v63  }
0x54: {  	_ =	swait.ge [sflag:s15], $0x1000  }
0x55: {  	[sflag:s15] =	ssyncset.done $0x0  }
0x56: {  	[sflag:s15] =	ssyncadd.s32 $0xFFFFF000  }
0x57: {  	[tilespmem:s20], [sflag:$0x2] =	stream.indirect.gather [spmem:s2], $0x20, s23, s18, $0xb8;
	[tilespmem:$0x11000] =	vst v63  }
0x58: {  	_ =	swait.ge [sflag:s21], $0x1000  }
0x59: {  	[sflag:s21] =	ssyncset.done $0x0  }
0x5a: {  	[sflag:s21] =	ssyncadd.s32 $0xFFFFF000  }
0x5b: {  	[spmem:s3] =	stream.indirect.scatter.add.f32 [tilespmem:s19], [sflag:$0x3], $0x20, s24, s18, $0xb8;
	[tilespmem:$0x11000] =	vst v63  }
0x5c: {  	_ =	swait.ge [sflag:s15], $0x1000  }
0x5d: {  	[sflag:s15] =	ssyncset.done $0x0  }
0x5e: {  	[sflag:s15] =	ssyncadd.s32 $0xFFFFF000  }
0x5f: {  	_ =	swait.ge [sflag:s22], $0x1000  }
0x60: {  	[sflag:s22] =	ssyncset.done $0x0  }
0x61: {  	[sflag:s22] =	ssyncadd.s32 $0xFFFFF000  }
0x62: {  	[spmem:s3] =	stream.indirect.scatter.add.f32 [tilespmem:s20], [sflag:$0x3], $0x20, s25, s18, $0xb8;
	[tilespmem:$0x11000] =	vst v63  }
0x63: {  	_ =	swait.ge [sflag:s15], $0x1000  }
0x64: {  	[sflag:s15] =	ssyncset.done $0x0  }
0x65: {  	s31 =	simm.s32 $0x0;
	[sflag:s15] =	ssyncadd.s32 $0xFFFFF000  }
0x66: {  	[tilespmem:s31], [sflag:$0x3] =	stream.linear.gather [hbm4b:s10+s31], $0x2800, $0x38;
	[tilespmem:$0x11000] =	vst v63  }
0x67: {  	_ =	swait.ge [sflag:s15], $0x2800  }
0x68: {  	[sflag:s15] =	ssyncset.done $0x0  }
0x69: {  	[sflag:s15] =	ssyncadd.s32 $0xFFFFD800  }
0x6a: {  	[tilespmem:s17], [sflag:$0x3] =	stream.linear.gather [hbm4b:s11+s31], $0x2800, $0x38;
	[tilespmem:$0x11000] =	vst v63  }
0x6b: {  	_ =	swait.ge [sflag:s15], $0x2800  }
0x6c: {  	[sflag:s15] =	ssyncset.done $0x0  }
0x6d: {  	[sflag:s15] =	ssyncadd.s32 $0xFFFFD800  }
0x6e: {  	[tilespmem:s19], [sflag:$0x1] =	stream.indirect.gather [spmem:s2], $0x20, s31, s18, $0xb8;
	[tilespmem:$0x11000] =	vst v63  }
0x6f: {  	s30 =	simm.s32 $0x80  }
0x70: {  	[tilespmem:s20], [sflag:$0x2] =	stream.indirect.gather [spmem:s2], $0x20, s30, s18, $0xb8;
	[tilespmem:$0x11000] =	vst v63  }
0x71: {  	_ =	swait.ge [sflag:s21], $0x1000  }
0x72: {  	[sflag:s21] =	ssyncset.done $0x0  }
0x73: {  	s31 =	simm.s32 $0x2800;
	[sflag:s21] =	ssyncadd.s32 $0xFFFFF000  }
0x74: {  	[spmem:s3] =	stream.indirect.scatter.add.f32 [tilespmem:s19], [sflag:$0x3], $0x20, s31, s18, $0xb8;
	[tilespmem:$0x11000] =	vst v63  }
0x75: {  	_ =	swait.ge [sflag:s15], $0x1000  }
0x76: {  	[sflag:s15] =	ssyncset.done $0x0  }
0x77: {  	s30 =	simm.s32 $0x100;
	[sflag:s15] =	ssyncadd.s32 $0xFFFFF000  }
0x78: {  	[tilespmem:s19], [sflag:$0x1] =	stream.indirect.gather [spmem:s2], $0x20, s30, s18, $0xb8;
	[tilespmem:$0x11000] =	vst v63  }
0x79: {  	_ =	swait.ge [sflag:s22], $0x1000  }
0x7a: {  	[sflag:s22] =	ssyncset.done $0x0  }
0x7b: {  	s31 =	simm.s32 $0x2880;
	[sflag:s22] =	ssyncadd.s32 $0xFFFFF000  }
0x7c: {  	[spmem:s3] =	stream.indirect.scatter.add.f32 [tilespmem:s20], [sflag:$0x3], $0x20, s31, s18, $0xb8;
	[tilespmem:$0x11000] =	vst v63  }
0x7d: {  	_ =	swait.ge [sflag:s15], $0x1000  }
0x7e: {  	s29 =	simm.s32 $0x800;
	s28 =	simm.s32 $0x100;
	[sflag:s15] =	ssyncset.done $0x0  }
.LBB2_4:
0x7f: {  	s1 =	sadd.s32 $0x80, s28  }
0x80: {  	[sflag:s15] =	ssyncadd.s32 $0xFFFFF000;
	s30 =	smov.u32 s29;
	s31 =	sadd.s32 $0x400, s29  }
0x81: {  	[tilespmem:s20], [sflag:$0x2] =	stream.indirect.gather [spmem:s2], $0x20, s1, s18, $0xb8;
	[tilespmem:$0x11000] =	vst v63  }
0x82: {  	p0 =	sne.s32 s29, $0x9800;
	_ =	swait.ge [sflag:s21], $0x1000  }
0x83: {  	[sflag:s21] =	ssyncset.done $0x0  }
0x84: {  	s1 =	sadd.s32 $0x2800, s28;
	[sflag:s21] =	ssyncadd.s32 $0xFFFFF000  }
0x85: {  	[spmem:s3] =	stream.indirect.scatter.add.f32 [tilespmem:s19], [sflag:$0x3], $0x20, s1, s18, $0xb8;
	[tilespmem:$0x11000] =	vst v63  }
0x86: {  	_ =	swait.ge [sflag:s15], $0x1000  }
0x87: {  	[sflag:s15] =	ssyncset.done $0x0  }
0x88: {  	s1 =	sadd.s32 $0x100, s28;
	[sflag:s15] =	ssyncadd.s32 $0xFFFFF000  }
0x89: {  	[tilespmem:s19], [sflag:$0x1] =	stream.indirect.gather [spmem:s2], $0x20, s1, s18, $0xb8;
	[tilespmem:$0x11000] =	vst v63  }
0x8a: {  	_ =	swait.ge [sflag:s22], $0x1000  }
.Ltmp1:
0x8b: {  	[sflag:s22] =	ssyncset.done $0x0;
	(pc) =	sbr.rel @p0 .LBB2_4-.Ltmp1, $4  }
0x8c: {  	s1 =	sadd.s32 $0x2880, s28;
	[sflag:s22] =	ssyncadd.s32 $0xFFFFF000  }
0x8d: {  	[spmem:s3] =	stream.indirect.scatter.add.f32 [tilespmem:s20], [sflag:$0x3], $0x20, s1, s18, $0xb8;
	[tilespmem:$0x11000] =	vst v63  }
0x8e: {  	_ =	swait.ge [sflag:s15], $0x1000  }
0x8f: {  	s29 =	smov.u32 s31;
	s28 =	sshra.s32 s30, $0x2;
	[sflag:s15] =	ssyncset.done $0x0  }
0x90: {  	s1 =	sadd.s32 $0x80, s28;
	[sflag:s15] =	ssyncadd.s32 $0xFFFFF000  }
0x91: {  	[tilespmem:s20], [sflag:$0x2] =	stream.indirect.gather [spmem:s2], $0x20, s1, s18, $0xb8;
	[tilespmem:$0x11000] =	vst v63  }
0x92: {  	_ =	swait.ge [sflag:s21], $0x1000  }
0x93: {  	[sflag:s21] =	ssyncset.done $0x0  }
0x94: {  	s29 =	sadd.s32 $0x2800, s28;
	[sflag:s21] =	ssyncadd.s32 $0xFFFFF000  }
0x95: {  	[spmem:s3] =	stream.indirect.scatter.add.f32 [tilespmem:s19], [sflag:$0x3], $0x20, s29, s18, $0xb8;
	[tilespmem:$0x11000] =	vst v63  }
0x96: {  	_ =	swait.ge [sflag:s15], $0x1000  }
0x97: {  	[sflag:s15] =	ssyncset.done $0x0  }
0x98: {  	s30 =	sadd.s32 $0x100, s28;
	[sflag:s15] =	ssyncadd.s32 $0xFFFFF000  }
0x99: {  	[tilespmem:s19], [sflag:$0x1] =	stream.indirect.gather [spmem:s2], $0x20, s30, s18, $0xb8;
	[tilespmem:$0x11000] =	vst v63  }
0x9a: {  	_ =	swait.ge [sflag:s22], $0x1000  }
0x9b: {  	[sflag:s22] =	ssyncset.done $0x0  }
0x9c: {  	s31 =	sadd.s32 $0x2880, s28;
	[sflag:s22] =	ssyncadd.s32 $0xFFFFF000  }
0x9d: {  	[spmem:s3] =	stream.indirect.scatter.add.f32 [tilespmem:s20], [sflag:$0x3], $0x20, s31, s18, $0xb8;
	[tilespmem:$0x11000] =	vst v63  }
0x9e: {  	_ =	swait.ge [sflag:s15], $0x1000  }
0x9f: {  	[sflag:s15] =	ssyncset.done $0x0  }
0xa0: {  	[sflag:s15] =	ssyncadd.s32 $0xFFFFF000  }
0xa1: {  	[tilespmem:s20], [sflag:$0x2] =	stream.indirect.gather [spmem:s2], $0x20, s23, s18, $0xb8;
	[tilespmem:$0x11000] =	vst v63  }
0xa2: {  	_ =	swait.ge [sflag:s21], $0x1000  }
0xa3: {  	[sflag:s21] =	ssyncset.done $0x0  }
0xa4: {  	[sflag:s21] =	ssyncadd.s32 $0xFFFFF000  }
0xa5: {  	[spmem:s3] =	stream.indirect.scatter.add.f32 [tilespmem:s19], [sflag:$0x3], $0x20, s24, s18, $0xb8;
	[tilespmem:$0x11000] =	vst v63  }
0xa6: {  	_ =	swait.ge [sflag:s15], $0x1000  }
0xa7: {  	[sflag:s15] =	ssyncset.done $0x0  }
0xa8: {  	[sflag:s15] =	ssyncadd.s32 $0xFFFFF000  }
0xa9: {  	_ =	swait.ge [sflag:s22], $0x1000  }
0xaa: {  	[sflag:s22] =	ssyncset.done $0x0  }
0xab: {  	[sflag:s22] =	ssyncadd.s32 $0xFFFFF000  }
0xac: {  	[spmem:s3] =	stream.indirect.scatter.add.f32 [tilespmem:s20], [sflag:$0x3], $0x20, s25, s18, $0xb8;
	[tilespmem:$0x11000] =	vst v63  }
0xad: {  	_ =	swait.ge [sflag:s15], $0x1000  }
0xae: {  	s26 =	sadd.s32 $0x1, s26;
	[sflag:s15] =	ssyncset.done $0x0  }
0xaf: {  	p0 =	sne.s32 s26, s13;
	[sflag:s15] =	ssyncadd.s32 $0xFFFFF000  }
.Ltmp2:
0xb0: {  	[bflag:$0x0] =	sbarrier.arrive $0xFFFF;
	(pc) =	sbr.rel @p0 .LBB2_1-.Ltmp2, $4  }
0xb1: {  	[hbm:s12], [sflag:s6] =	dma.local [spmem:s16], $0xA00  }
0xb2: {  	_ =	swait.ge [sflag:s15], $0xA00  }
0xb3: {  	[sflag:s15] =	ssyncset.done $0x0  }
0xb4: {  	[sflag:s15] =	ssyncadd.s32 $0xFFFFF600  }
0xb5: {  	_ =	sfence.sel $0x180000  }
0xb6: {  	[bflag:$0x0] =	sbarrier.arrive $0xFFFF  }
0xb7: {  	_ =	strace $0x9000004D  }
0xb8: {  	[bflag:$0x2] =	sbarrier.arrive $0xFFFF  }
0xb9: {  	p0 =	sne.s32 s0, $0x0;
	s0 =	rddreg [dreg:$0x4]  }
0xba: {  	s0 =	sadd.s32 @!p0 $0x100000, s0  }
0xbb: {  	[sflag:s0] =	ssyncadd.tile.s32 @!p0 $0x1;
	_ =	shalt  }
.Lfunc_end2:
_tile_overlayer_lowered:
.L_overlay_start_2:
0xbc: {  	(tag) =	ssettag $0x2  }
0xbd: {  	s0 =	rddreg [dreg:$0x0];
	s2 =	stileid.u32  }
0xbe: {  	s1 =	rddreg [dreg:$0x1];
	p0 =	sne.s32 s2, $0x0  }
0xbf: {  	s3 =	rddreg [dreg:$0x2];
	[bflag:$0x3] =	sbarrier.arrive $0xFFFF;
	s2 =	simm.s32 @!p0 $0x1C03  }
0xc0: {  	[timem:s3], [sflag:s2] =	dma.local @!p0 [hbm:s0], s1  }
0xc1: {  	s0 =	simm.s32 @!p0 $0x3  }
0xc2: {  	_ =	swait.ge @!p0 [sflag:s0], s1  }
0xc3: {  	s1 =	ssub.s32 @!p0 $0x0, s1;
	[sflag:s0] =	ssyncset.done @!p0 $0x0  }
0xc4: {  	[sflag:s0] =	ssyncadd.s32 @!p0 s1  }
0xc5: {  	[bflag:$0x3] =	sbarrier.arrive $0xFFFF  }
0xc6: {  	_ =	shalt  }

// kernel: kernel.9.cloned.1.call-start
scs
__scs_entry_jumppad:
0x0: {  	(pc) =	sbr.rel $0x88, $3  }
0x1: {  	(tag) =	ssettag $0x0;
	lr =	simm.s32 $0x1  }
0x2: {  	[smem:$0x3F95] =	sst lr;
	_ =	strace $0xD0000000  }
0x3: {  	_ = 	snop  }
0x4: {  	_ = 	snop  }
0x5: {  	_ = 	snop  }
0x6: {  	_ = 	snop  }
0x7: {  	_ = 	snop  }
__scs_overlays_trampoline_lowered:
0x8: {  	[smem:$0x3FA4] =	sst s0  }
0x9: {  	[smem:$0x3FA5] =	sst s1  }
0xa: {  	[smem:$0x3FA6] =	sst s2  }
0xb: {  	[smem:$0x3FA7] =	sst s3  }
0xc: {  	[smem:$0x3FA8] =	sst s4  }
0xd: {  	[smem:$0x3FA9] =	sst s5  }
0xe: {  	[smem:$0x3FAA] =	sst s6  }
0xf: {  	[smem:$0x3FAB] =	sst s7  }
0x10: {  	[smem:$0x3FAC] =	sst s8  }
0x11: {  	[smem:$0x3FAD] =	sst s9;
	s0 =	simm.s32 @!p0 $0x0  }
0x12: {  	s1 =	sld [smem:$0x3F93];
	s0 =	simm.s32 @p0 $0x1  }
0x13: {  	[smem:$0x3FAE] =	sst s0;
	s0 =	simm.s32 @!p1 $0x0  }
0x14: {  	s2 =	sld [smem:$0x3F92];
	s0 =	simm.s32 @p1 $0x1  }
0x15: {  	[smem:$0x3FAF] =	sst s0;
	s0 =	simm.s32 @!p2 $0x0  }
0x16: {  	s3 =	sld [smem:$0x3FDB];
	s0 =	simm.s32 @p2 $0x1  }
0x17: {  	s4 =	simm.s32 $0x1BF5;
	[smem:$0x3FB1] =	sst s0  }
0x18: {  	s0 =	sld [smem:$0x3F94];
	_ =	swait.ge [sflag:s4], $0x0  }
0x19: {  	s7 =	sld [smem:$0x3F95]  }
0x1a: {  	s8 =	sadd.s32 $0xFFFFE003, lr  }
0x1b: {  	s9 =	sadd.s32 $0xFFFFFEF7, lr;
	s5 =	simm.s32 $0xFFFFFFFF;
	p2 =	slt.u32 s8, $0xFFFFF086  }
0x1c: {  	p1 =	slt.u32 s9, $0xF7A;
	s5 =	simm.s32 @!p2 $0x0  }
0x1d: {  	s5 =	simm.s32 @p1 $0x1;
	p0 =	seq.s32 s7, s2  }
0x1e: {  	s7 =	smul.u32 @!p0 $0xF7A, s2;
	p2 =	seq.s32 @!p0 s5, $0x0  }
0x1f: {  	s9 =	smul.u32 $0xF7A, s1;
	s8 =	simm.s32 @!p0 $0x1BF5;
	p2 =	por !p2, p0  }
0x20: {  	[sflag:s8] =	ssyncset.s32 @!p0 $0xFFFFF086;
	s6 =	sadd.s32 @!p0 s3, s7;
	s7 =	simm.s32 @!p0 $0x108  }
0x21: {  	s3 =	sadd.s32 s3, s9;
	s6 =	sadd.s32 @!p0 $0x88, s6;
	s7 =	simm.s32 @p2 $0x1082  }
0x22: {  	[simem:s7], [sflag:s8] =	dma.local @!p0 [hbm:s6], $0xF7A  }
0x23: {  	s9 =	sor.u32 $0xD0000000, s2;
	s6 =	simm.s32 $0x108;
	_ =	swait.ge @!p0 [sflag:s8], $0x0  }
0x24: {  	s3 =	sadd.s32 $0x88, s3;
	s6 =	simm.s32 @!p1 $0x1082;
	[sflag:s4] =	ssyncset.s32 $0xFFFFF086  }
0x25: {  	[simem:s6], [sflag:s4] =	dma.local [hbm:s3], $0xF7A  }
0x26: {  	[smem:$0x3F95] =	sst s1;
	(tag) =	ssettag s2;
	_ =	strace s9  }
0x27: {  	s1 =	sld [smem:$0x3FA5]  }
0x28: {  	s2 =	sld [smem:$0x3FA6]  }
0x29: {  	s4 =	sld [smem:$0x3FA8]  }
0x2a: {  	p0 =	seq.s32 s5, $0x0;
	s5 =	sld [smem:$0x3FA9]  }
0x2b: {  	s6 =	sld [smem:$0x3FAA]  }
0x2c: {  	s7 =	sld [smem:$0x3FAB]  }
0x2d: {  	s3 =	simm.s32 $0x108;
	s8 =	sld [smem:$0x3FAC]  }
0x2e: {  	s3 =	simm.s32 @!p0 $0x1082;
	s9 =	sld [smem:$0x3FAD]  }
0x2f: {  	lr =	sadd.s32 s0, s3;
	s0 =	sld [smem:$0x3FA4]  }
0x30: {  	s3 =	sld [smem:$0x3FA7]  }
0x31: {  	[smem:$0x3FB0] =	sst s10  }
0x32: {  	s10 =	sld [smem:$0x3FAE];
	_ =	sdelay $0x3  }
0x33: {  	p0 =	seq.s32 s10, $0x1;
	s10 =	sld [smem:$0x3FB0];
	_ =	sdelay $0x3  }
0x34: {  	[smem:$0x3FB0] =	sst s10  }
0x35: {  	s10 =	sld [smem:$0x3FAF];
	_ =	sdelay $0x3  }
0x36: {  	p1 =	seq.s32 s10, $0x1;
	s10 =	sld [smem:$0x3FB0];
	_ =	sdelay $0x3  }
0x37: {  	[smem:$0x3FB0] =	sst s10  }
0x38: {  	s10 =	sld [smem:$0x3FB1]  }
0x39: {  	_ = 	snop;
	(pc) =	sbr.ind lr, $3  }
0x3a: {  	_ = 	snop  }
0x3b: {  	_ = 	snop  }
0x3c: {  	p2 =	seq.s32 s10, $0x1;
	s10 =	sld [smem:$0x3FB0]  }
0x3d: {  	_ =	shalt  }
0x3e: {  	_ =	shalt  }
0x3f: {  	_ =	shalt  }
0x40: {  	_ =	shalt  }
0x41: {  	_ =	shalt  }
0x42: {  	_ =	shalt  }
0x43: {  	_ =	shalt  }
0x44: {  	_ =	shalt  }
0x45: {  	_ =	shalt  }
0x46: {  	_ =	shalt  }
0x47: {  	_ =	shalt  }
0x48: {  	_ =	shalt  }
0x49: {  	_ =	shalt  }
0x4a: {  	_ =	shalt  }
0x4b: {  	_ =	shalt  }
0x4c: {  	_ =	shalt  }
0x4d: {  	_ =	shalt  }
0x4e: {  	_ =	shalt  }
0x4f: {  	_ =	shalt  }
0x50: {  	_ =	shalt  }
0x51: {  	_ =	shalt  }
0x52: {  	_ =	shalt  }
0x53: {  	_ =	shalt  }
0x54: {  	_ =	shalt  }
0x55: {  	_ =	shalt  }
0x56: {  	_ =	shalt  }
0x57: {  	_ =	shalt  }
0x58: {  	_ =	shalt  }
0x59: {  	_ =	shalt  }
0x5a: {  	_ =	shalt  }
0x5b: {  	_ =	shalt  }
0x5c: {  	_ =	shalt  }
0x5d: {  	_ =	shalt  }
0x5e: {  	_ =	shalt  }
0x5f: {  	_ =	shalt  }
0x60: {  	_ =	shalt  }
0x61: {  	_ =	shalt  }
0x62: {  	_ =	shalt  }
0x63: {  	_ =	shalt  }
0x64: {  	_ =	shalt  }
0x65: {  	_ =	shalt  }
0x66: {  	_ =	shalt  }
0x67: {  	_ =	shalt  }
0x68: {  	_ =	shalt  }
0x69: {  	_ =	shalt  }
0x6a: {  	_ =	shalt  }
0x6b: {  	_ =	shalt  }
0x6c: {  	_ =	shalt  }
0x6d: {  	_ =	shalt  }
0x6e: {  	_ =	shalt  }
0x6f: {  	_ =	shalt  }
0x70: {  	_ =	shalt  }
0x71: {  	_ =	shalt  }
0x72: {  	_ =	shalt  }
0x73: {  	_ =	shalt  }
0x74: {  	_ =	shalt  }
0x75: {  	_ =	shalt  }
0x76: {  	_ =	shalt  }
0x77: {  	_ =	shalt  }
0x78: {  	_ =	shalt  }
0x79: {  	_ =	shalt  }
0x7a: {  	_ =	shalt  }
0x7b: {  	_ =	shalt  }
0x7c: {  	_ =	shalt  }
0x7d: {  	_ =	shalt  }
0x7e: {  	_ =	shalt  }
0x7f: {  	_ =	shalt  }
0x80: {  	_ =	shalt  }
0x81: {  	_ =	shalt  }
0x82: {  	_ =	shalt  }
0x83: {  	_ =	shalt  }
0x84: {  	_ =	shalt  }
0x85: {  	_ =	shalt  }
0x86: {  	_ =	shalt  }
0x87: {  	_ =	shalt  }
.Lfunc_end0:
.L_simem_size_0:
called_computation_lowered:
.L_overlay_start_0:
0x88: {  	s2 =	sld [smem:$0x3FD9]  }
0x89: {  	s3 =	sld [smem:$0x3FFE];
	_ =	sdelay $0x1  }
0x8a: {  	s1 =	srdreg.scid  }
0x8b: {  	s0 =	sand.u32 $0x1, s1  }
0x8c: {  	s14 =	sshll.u32 s0, $0xA;
	s2 =	sadd.s32 s3, s2  }
0x8d: {  	s2 =	sadd.s32 s2, s14  }
0x8e: {  	[smem:$0x3FBC] =	sst s2  }
0x8f: {  	_ = 	snop  }
0x90: {  	s2 =	sld [smem:$0x3FD0];
	_ =	sdelay $0x2  }
0x91: {  	s15 =	simm.s32 $0xA;
	s4 =	simm.s32 $0x10  }
0x92: {  	[smem:s4], [sflag:s15] =	dma.local [hbm:s2], $0x1  }
0x93: {  	_ =	swait.eq [sflag:s15], $0x1  }
0x94: {  	[sflag:s15] =	ssyncset.done $0x0  }
0x95: {  	[sflag:s15] =	ssyncadd.s32 $0xFFFFFFFF  }
0x96: {  	s16 =	sld [smem:$0x10];
	(tm) =	ssettm $0x1  }
0x97: {  	s17 =	sld [smem:$0x3FFB];
	_ =	sdelay $0x3  }
0x98: {  	_ =	strace s17  }
0x99: {  	s3 =	sld [smem:$0x3FFC];
	_ =	sdelay $0x3  }
0x9a: {  	_ =	strace s3  }
0x9b: {  	s3 =	sld [smem:$0x3FFD];
	_ =	sdelay $0x3  }
0x9c: {  	_ =	strace s3  }
0x9d: {  	_ =	strace $0x8FFFFFFF  }
0x9e: {  	s18 =	sld [smem:$0x3FDB];
	_ =	sdelay $0x1  }
0x9f: {  	s19 =	simm.s32 $_scs_section_size  }
0xa0: {  	s5 =	simm.s32 $_size__tile_overlayer_lowered;
	s6 =	simm.s32 $_tile_overlayer_lowered  }
0xa1: {  	s22 =	simm.s32 $0x1BFF;
	s21 =	sshll.u32 s6, $0x1;
	s3 =	sadd.s32 s19, s18  }
0xa2: {  	s7 =	simm.s32 $0x0;
	s20 =	sshll.u32 s5, $0x1;
	s5 =	sadd.s32 s21, s3  }
0xa3: {  	[timem:s7], [sflag:s22] =	dma.local [hbm:s5], s20  }
0xa4: {  	_ =	swait.ge [sflag:s22], s20  }
0xa5: {  	s4 =	ssub.s32 $0x0, s20;
	[sflag:s22] =	ssyncset.done $0x0  }
0xa6: {  	[sflag:s22] =	ssyncadd.s32 s4;
	_ =	sdelay $0x1  }
0xa7: {  	s23 =	simm.s32 $0x1B8B  }
0xa8: {  	_ =	swait.ge [sflag:s23], $0x1  }
0xa9: {  	[sflag:s23] =	ssyncset.done $0x0  }
0xaa: {  	s25 =	simm.s32 $0x1B8E;
	s24 =	sld [smem:$0x3FFE];
	[sflag:s23] =	ssyncadd.s32 $0xFFFFFFFF  }
0xab: {  	s26 =	simm.s32 $execute0_lowered;
	[smem:$0x3FD2] =	sst s25  }
0xac: {  	s5 =	sshll.u32 s26, $0x1;
	_ =	strace $0x80000046;
	[dreg:$0x1] =	wrdreg $0xFFFFFFFF  }
0xad: {  	s28 =	simm.s32 $_size_execute0_lowered;
	s3 =	sadd.s32 s3, s5;
	[dreg:$0x0] =	wrdreg $0x0  }
0xae: {  	s5 =	sshll.u32 s28, $0x1;
	[dreg:$0x2] =	wrdreg s3  }
0xaf: {  	[dreg:$0x3] =	wrdreg s5  }
0xb0: {  	[dreg:$0x4] =	wrdreg $0xC0  }
0xb1: {  	_ =	task [dreg:s7], $0x5FFFF  }
0xb2: {  	[dreg:$0x1] =	wrdreg $0xFFFFFFFF  }
0xb3: {  	[dreg:$0x0] =	wrdreg $0x60  }
0xb4: {  	[dreg:$0x2] =	wrdreg s16  }
0xb5: {  	[dreg:$0x3] =	wrdreg s24  }
0xb6: {  	[dreg:$0x4] =	wrdreg $0x30000  }
0xb7: {  	[dreg:$0x5] =	wrdreg $0x9  }
0xb8: {  	_ =	task.clear_ibuf [dreg:s7], $0x6FFFF;
	_ =	strace $0x90000046  }
0xb9: {  	s29 =	simm.s32 $0x9;
	_ =	strace $0x80000048  }
0xba: {  	_ =	swait.ge [sflag:s29], $0x1  }
0xbb: {  	[sflag:s29] =	ssyncadd.s32 $0xFFFFFFFF  }
0xbc: {  	_ =	strace $0x90000048  }
0xbd: {  	_ =	sfence  }
0xbe: {  	s30 =	sld [smem:$0x0];
	_ =	sdelay $0x2  }
0xbf: {  	s31 =	sshll.u32 s1, $0xD;
	s1 =	sshrl.u32 s1, $0x2  }
0xc0: {  	s3 =	sand.u32 $0x4000, s31;
	s1 =	sadd.s32 s1, s30  }
0xc1: {  	s0 =	sor.u32 s3, s0;
	s1 =	sshll.u32 s1, $0x11  }
0xc2: {  	s0 =	sor.u32 s1, s0  }
0xc3: {  	s0 =	sadd.s32 $0x8F2B, s0  }
0xc4: {  	[sflag:s0] =	ssyncadd.remote.s32 $0x1  }
0xc5: {  	_ =	sfence.sel $0xFFFF  }
0xc6: {  	[dreg:$0x0] =	wrdreg $0xFFFFFFFF;
	(pc) =	sbr.abs _section_cstart, $3  }
0xc7: {  	[dreg:$0x1] =	wrdreg $0xFFFFFFFF  }
0xc8: {  	_ =	task.clear_ibuf [dreg:s7], $0x2FFFF;
	_ =	strace $0x9FFFFFFF  }
0xc9: {  	(tm) =	ssettm $0x7FFFFFFF  }
tec
execute0_lowered:
.L_overlay_start_1:
0x0: {  	(tag) =	ssettag $0x1  }
0x1: {  	s5 =	rddreg [dreg:$0x0]  }
0x2: {  	s6 =	rddreg [dreg:$0x1]  }
0x3: {  	s2 =	rddreg [dreg:$0x2]  }
0x4: {  	s0 =	rddreg [dreg:$0x3];
	s3 =	simm.s32 $0x0;
	s1 =	stileid.u32  }
0x5: {  	s4 =	srdreg.scid;
	s13 =	simm.s32 $0x80;
	s14 =	simm.s32 $0x0  }
0x6: {  	[smem:$0x7FF] =	sst s3;
	s7 =	smul.u32 $0x2800, s1;
	s8 =	sand.u32 $0x1, s4  }
0x7: {  	s4 =	sadd.s32 $0x7000, s6;
	s31 =	sshll.u32 s1, $0x6;
	_ =	strace $0x80000047  }
0x8: {  	s9 =	smul.u32 $0x28000, s8;
	s11 =	sshll.u32 s8, $0x4;
	s8 =	ssub.s32 $0x2, s8  }
0x9: {  	s10 =	sshrl.u32 s7, $0x3;
	s11 =	sor.u32 s1, s11;
	s12 =	sshrl.u32 s8, $0x1  }
0xa: {  	s30 =	sadd.s32 s7, s2;
	s9 =	sadd.s32 s7, s9;
	s11 =	smul.u32 $0x500, s11  }
0xb: {  	s10 =	sadd.s32 s10, s6;
	s8 =	ssub.s32 s8, s12;
	s9 =	sshrl.u32 s9, $0x3  }
0xc: {  	s12 =	sshrl.u32 s30, $0x3;
	s8 =	smax.u32 s8, $0x1;
	s9 =	sadd.s32 s9, s6  }
0xd: {  	s5 =	sadd.s32 s5, s11;
	s6 =	sadd.s32 $0x2000, s10;
	s10 =	simm.s32 $0x2800  }
0xe: {  	s11 =	sor.u32 $0x1C01, s31;
	s7 =	sadd.s32 $0x7200, s9;
	s9 =	simm.s32 $0x1  }
.LBB2_1:
0xf: {  	[tilespmem:s3], [sflag:$0x1] =	stream.linear.gather [hbm4b:s5+s3], $0x2800, $0x38;
	[tilespmem:$0x5800] =	vst v63  }
0x10: {  	_ =	swait.ge [sflag:s9], $0x2800  }
0x11: {  	[sflag:s9] =	ssyncset.done $0x0  }
0x12: {  	[sflag:s9] =	ssyncadd.s32 $0xFFFFD800  }
0x13: {  	[tilespmem:s10], [sflag:$0x1] =	stream.linear.gather [hbm4b:s4+s3], $0x800, $0x38;
	[tilespmem:$0x5800] =	vst v63  }
0x14: {  	_ =	swait.ge [sflag:s9], $0x800  }
0x15: {  	[sflag:s9] =	ssyncset.done $0x0  }
0x16: {  	[sflag:s9] =	ssyncadd.s32 $0xFFFFF800  }
0x17: {  	[spmem:s12], [sflag:s11] =	dma.local [hbm:s6], $0x500  }
0x18: {  	_ =	swait.ge [sflag:s9], $0x500  }
0x19: {  	[sflag:s9] =	ssyncset.done $0x0  }
0x1a: {  	[sflag:s9] =	ssyncadd.s32 $0xFFFFFB00  }
0x1b: {  	s15 =	simm.s32 $0x0;
	[bflag:$0x0] =	sbarrier.arrive $0xFFFF  }
0x1c: {  	[spmem:s2] =	stream.indirect.scatter.add.f32 [tilespmem:s10], [sflag:$0x1], $0x10, s15, s13, $0xb8;
	[tilespmem:$0x5800] =	vst v63  }
0x1d: {  	_ =	swait.ge [sflag:s9], $0x800  }
0x1e: {  	s15 =	simm.s32 $0x200;
	[sflag:s9] =	ssyncset.done $0x0  }
.LBB2_2:
0x1f: {  	s16 =	sshra.s32 s15, $0x2;
	[sflag:s9] =	ssyncadd.s32 $0xFFFFF800;
	p0 =	sne.s32 s15, $0x9E00  }
0x20: {  	[spmem:s2] =	stream.indirect.scatter.add.f32 [tilespmem:s10], [sflag:$0x1], $0x10, s16, s13, $0xb8;
	[tilespmem:$0x5800] =	vst v63  }
.Ltmp0:
0x21: {  	_ = 	snop;
	(pc) =	sbr.rel @p0 .LBB2_2-.Ltmp0, $4  }
0x22: {  	_ = 	snop  }
0x23: {  	s15 =	sadd.s32 $0x200, s15  }
0x24: {  	_ =	swait.ge [sflag:s9], $0x800  }
0x25: {  	[sflag:s9] =	ssyncset.done $0x0  }
0x26: {  	s14 =	sadd.s32 $0x1, s14  }
0x27: {  	[sflag:s9] =	ssyncadd.s32 $0xFFFFF800;
	p0 =	sne.s32 s14, s8  }
.Ltmp1:
0x28: {  	[bflag:$0x0] =	sbarrier.arrive $0xFFFF;
	(pc) =	sbr.rel @p0 .LBB2_1-.Ltmp1, $4  }
0x29: {  	[hbm:s7], [sflag:s11] =	dma.local [spmem:s12], $0x500  }
0x2a: {  	_ =	swait.ge [sflag:s9], $0x500  }
0x2b: {  	[sflag:s9] =	ssyncset.done $0x0  }
0x2c: {  	[sflag:s9] =	ssyncadd.s32 $0xFFFFFB00  }
0x2d: {  	_ =	sfence.sel $0x180000  }
0x2e: {  	[bflag:$0x0] =	sbarrier.arrive $0xFFFF  }
0x2f: {  	p0 =	sne.s32 s1, $0x0;
	_ =	strace $0x90000047  }
0x30: {  	s0 =	sadd.s32 @!p0 $0x100000, s0;
	[bflag:$0x2] =	sbarrier.arrive $0xFFFF  }
0x31: {  	[sflag:s0] =	ssyncadd.tile.s32 @!p0 $0x1;
	_ =	shalt  }
.Lfunc_end2:
_tile_overlayer_lowered:
.L_overlay_start_2:
0x32: {  	(tag) =	ssettag $0x2  }
0x33: {  	s0 =	rddreg [dreg:$0x0];
	s2 =	stileid.u32  }
0x34: {  	s1 =	rddreg [dreg:$0x1];
	p0 =	sne.s32 s2, $0x0  }
0x35: {  	s3 =	rddreg [dreg:$0x2];
	[bflag:$0x3] =	sbarrier.arrive $0xFFFF;
	s2 =	simm.s32 @!p0 $0x1C01  }
0x36: {  	[timem:s3], [sflag:s2] =	dma.local @!p0 [hbm:s0], s1  }
0x37: {  	s0 =	simm.s32 @!p0 $0x1  }
0x38: {  	_ =	swait.ge @!p0 [sflag:s0], s1  }
0x39: {  	s1 =	ssub.s32 @!p0 $0x0, s1;
	[sflag:s0] =	ssyncset.done @!p0 $0x0  }
0x3a: {  	[sflag:s0] =	ssyncadd.s32 @!p0 s1  }
0x3b: {  	[bflag:$0x3] =	sbarrier.arrive $0xFFFF  }
0x3c: {  	_ =	shalt  }

</sc_bundles>
